<compile_context>
chip_gen: v7x
topology: tpu7x:2x2x1
jax: 0.10.2.dev20260603
libtpu: 0.0.44.dev20260713+nightly
codegen_flags: <defaults>
</compile_context>

<pallas_src>
import functools

import jax
import jax.numpy as jnp
from jax import lax
from jax.experimental import pallas as pl
from jax.experimental.pallas import tpu as pltpu
from jax.experimental.pallas import tpu_sc as plsc

_N = 10000
_E = 320000
_D = 128
_G = 64

_NC = 2
_NS = 16
_NW = _NC * _NS
_CH = 128
_CPW = 80
_EPAD = _NW * _CPW * _CH
_NBUF = 2
_TRASH = 128
_AROWS = _N + _TRASH
_CPS = 40
_NSTAGE = _CPW // _CPS
_ZR = 40
_ZBLOCKS = _N // _ZR
_ZITERS = -(-_ZBLOCKS // _NS)
_WR = 1000
_WBLOCKS = _N // _WR

_BM = 5000
_NB = _N // _BM


def _sc_segment_sum(x, src3, dst3):
    mesh = plsc.VectorSubcoreMesh(core_axis_name="core", subcore_axis_name="subcore")

    @functools.partial(
        pl.kernel,
        out_type=jax.ShapeDtypeStruct((_NC, _N, _D), jnp.float32),
        mesh=mesh,
        scratch_types=[
            pltpu.VMEM((_CPS, _CH), jnp.int32),
            pltpu.VMEM((_CPS, _CH), jnp.int32),
            pltpu.VMEM((_NBUF, _CH, _D), jnp.float32),
            pltpu.VMEM((_ZR, _D), jnp.float32),
            pltpu.VMEM_SHARED((_AROWS, _D), jnp.float32),
            pltpu.SemaphoreType.DMA,
            pltpu.SemaphoreType.DMA,
            pltpu.SemaphoreType.DMA,
            pltpu.SemaphoreType.DMA,
        ],
    )
    def agg(x_hbm, src_hbm, dst_hbm, out_hbm, src_v, dst_v, rows_v,
            zero_v, acc_sh, sem0, sem1, sem2, sem3):
        cid = lax.axis_index("core")
        sid = lax.axis_index("subcore")
        wid = cid * _NS + sid

        pltpu.sync_copy(src_hbm.at[wid, pl.ds(0, _CPS)], src_v)
        pltpu.sync_copy(dst_hbm.at[wid, pl.ds(0, _CPS)], dst_v)
        pltpu.async_copy(x_hbm.at[src_v.at[0]], rows_v.at[0], sem0)

        @pl.loop(0, _ZR)
        def _(r):
            @pl.loop(0, _D, step=16)
            def _(c):
                zero_v[r, pl.ds(c, 16)] = jnp.zeros((16,), jnp.float32)

        @pl.loop(0, _ZITERS)
        def _(j):
            blk = j * _NS + sid

            @pl.when(blk < _ZBLOCKS)
            def _():
                pltpu.sync_copy(zero_v, acc_sh.at[pl.ds(blk * _ZR, _ZR)])

        plsc.subcore_barrier()

        def run_stage(s, prologue):
            if prologue:
                pltpu.sync_copy(src_hbm.at[wid, pl.ds(s * _CPS, _CPS)], src_v)
                pltpu.sync_copy(dst_hbm.at[wid, pl.ds(s * _CPS, _CPS)], dst_v)
                pltpu.async_copy(x_hbm.at[src_v.at[0]], rows_v.at[0], sem0)

            @pl.loop(0, _CPS, step=2)
            def _(j):
                pltpu.async_copy(x_hbm.at[src_v.at[j + 1]], rows_v.at[1], sem1)
                pltpu.make_async_copy(x_hbm.at[src_v.at[j]], rows_v.at[0],
                                      sem0).wait()
                pltpu.sync_copy(rows_v.at[0], acc_sh.at[dst_v.at[j]], add=True)

                @pl.when(j + 2 < _CPS)
                def _():
                    pltpu.async_copy(x_hbm.at[src_v.at[j + 2]], rows_v.at[0],
                                     sem0)

                pltpu.make_async_copy(x_hbm.at[src_v.at[j + 1]], rows_v.at[1],
                                      sem1).wait()
                pltpu.sync_copy(rows_v.at[1], acc_sh.at[dst_v.at[j + 1]],
                                add=True)

        for s in range(_NSTAGE):
            run_stage(s, prologue=(s > 0))

        plsc.subcore_barrier()

        @pl.when(sid < _WBLOCKS)
        def _():
            pltpu.sync_copy(acc_sh.at[pl.ds(sid * _WR, _WR)],
                            out_hbm.at[cid, pl.ds(sid * _WR, _WR)])

    return agg(x, src3, dst3)


def _mlp(x, agg, W1, b1, W2, b2):

    def body(x_ref, a0_ref, a1_ref, w1_ref, b1_ref, w2_ref, b2_ref, o_ref):
        h = x_ref[...] + a0_ref[0] + a1_ref[0]
        h = jnp.dot(h.astype(jnp.bfloat16), w1_ref[...].astype(jnp.bfloat16),
                    preferred_element_type=jnp.float32)
        h = jnp.maximum(h + b1_ref[...], 0.0)
        h = jnp.dot(h.astype(jnp.bfloat16), w2_ref[...].astype(jnp.bfloat16),
                    preferred_element_type=jnp.float32)
        o_ref[...] = jnp.maximum(h + b2_ref[...], 0.0)

    return pl.pallas_call(
        body,
        grid=(_NB,),
        in_specs=[
            pl.BlockSpec((_BM, _D), lambda i: (i, 0)),
            pl.BlockSpec((1, _BM, _D), lambda i: (0, i, 0)),
            pl.BlockSpec((1, _BM, _D), lambda i: (1, i, 0)),
            pl.BlockSpec((_D, _D), lambda i: (0, 0)),
            pl.BlockSpec((1, _D), lambda i: (0, 0)),
            pl.BlockSpec((_D, _D), lambda i: (0, 0)),
            pl.BlockSpec((1, _D), lambda i: (0, 0)),
        ],
        out_specs=pl.BlockSpec((_BM, _D), lambda i: (i, 0)),
        out_shape=jax.ShapeDtypeStruct((_N, _D), jnp.float32),
    )(x, agg, agg, W1, b1.reshape(1, _D), W2, b2.reshape(1, _D))


def _mlp_pool(h, agg, W1, b1, W2, b2, batch3, Wf, bf):

    def body(h_ref, a0_ref, a1_ref, w1_ref, b1_ref, w2_ref, b2_ref,
             batch_ref, wf_ref, bf_ref, o_ref, sums, counts):
        i = pl.program_id(0)

        @pl.when(i == 0)
        def _():
            sums[...] = jnp.zeros_like(sums)
            counts[...] = jnp.zeros_like(counts)

        h2 = h_ref[...] + a0_ref[0] + a1_ref[0]
        h2 = jnp.dot(h2.astype(jnp.bfloat16), w1_ref[...].astype(jnp.bfloat16),
                     preferred_element_type=jnp.float32)
        h2 = jnp.maximum(h2 + b1_ref[...], 0.0)
        h2 = jnp.dot(h2.astype(jnp.bfloat16), w2_ref[...].astype(jnp.bfloat16),
                     preferred_element_type=jnp.float32)
        h2 = jnp.maximum(h2 + b2_ref[...], 0.0)

        b = batch_ref[0, 0, :]
        gid = lax.broadcasted_iota(jnp.int32, (_G, _BM), 0)
        mask = (b[None, :] == gid).astype(jnp.float32)
        sums[...] += jnp.dot(mask, h2, preferred_element_type=jnp.float32,
                     precision=lax.Precision.HIGHEST)
        counts[...] += jnp.sum(mask, axis=1, keepdims=True)

        @pl.when(i == _NB - 1)
        def _():
            pooled = sums[...] / jnp.maximum(counts[...], 1.0)
            o_ref[...] = (
                jnp.dot(pooled.astype(jnp.bfloat16),
                        wf_ref[...].astype(jnp.bfloat16),
                        preferred_element_type=jnp.float32)
                + bf_ref[...])

    return pl.pallas_call(
        body,
        grid=(_NB,),
        in_specs=[
            pl.BlockSpec((_BM, _D), lambda i: (i, 0)),
            pl.BlockSpec((1, _BM, _D), lambda i: (0, i, 0)),
            pl.BlockSpec((1, _BM, _D), lambda i: (1, i, 0)),
            pl.BlockSpec((_D, _D), lambda i: (0, 0)),
            pl.BlockSpec((1, _D), lambda i: (0, 0)),
            pl.BlockSpec((_D, _D), lambda i: (0, 0)),
            pl.BlockSpec((1, _D), lambda i: (0, 0)),
            pl.BlockSpec((1, 1, _BM), lambda i: (i, 0, 0)),
            pl.BlockSpec((_D, 1), lambda i: (0, 0)),
            pl.BlockSpec((1, 1), lambda i: (0, 0)),
        ],
        out_specs=pl.BlockSpec((_G, 1), lambda i: (0, 0)),
        out_shape=jax.ShapeDtypeStruct((_G, 1), jnp.float32),
        scratch_shapes=[
            pltpu.VMEM((_G, _D), jnp.float32),
            pltpu.VMEM((_G, 1), jnp.float32),
        ],
    )(h, agg, agg, W1, b1.reshape(1, _D), W2, b2.reshape(1, _D),
      batch3, Wf, bf.reshape(1, 1))


def kernel(x, edge_index, batch, W1_0, b1_0, W2_0, b2_0, W1_1, b1_1,
           W2_1, b2_1, Wf, bf):
    npad = _EPAD - _E
    src3 = jnp.concatenate(
        [edge_index[0],
         jnp.arange(npad, dtype=jnp.int32) % jnp.int32(_N)]
    ).reshape(_NW, _CPW, _CH)
    dst3 = jnp.concatenate(
        [edge_index[1],
         _N + (jnp.arange(npad, dtype=jnp.int32) % _TRASH)]
    ).reshape(_NW, _CPW, _CH)
    agg0 = _sc_segment_sum(x, src3, dst3)
    h1 = _mlp(x, agg0, W1_0, b1_0, W2_0, b2_0)
    agg1 = _sc_segment_sum(h1, src3, dst3)
    batch3 = batch.reshape(_NB, 1, _BM)
    out = _mlp_pool(h1, agg1, W1_1, b1_1, W2_1, b2_1, batch3, Wf, bf)
    return out[:, 0]

# --- scband reference (transcript-rebuilt; emitter-appended) ---
"""Pipeline reference for scband-ginmodel-64209761075678 (READ-ONLY COPY).

The authoritative reference and input builder live on the scoring server;
editing this copy changes nothing except your own understanding.
"""

import jax, jax.numpy as jnp
import numpy as np

N = 10000
E = 320000
D = 128
H = 128
G = 64


def _init_linear(key, fan_in, fan_out):
    k1, k2 = jax.random.split(key)
    bound = 1.0 / np.sqrt(fan_in)
    W = jax.random.uniform(k1, (fan_in, fan_out), minval=-bound, maxval=bound, dtype=jnp.float32)
    b = jax.random.uniform(k2, (fan_out,), minval=-bound, maxval=bound, dtype=jnp.float32)
    return W, b


def setup_inputs(seed: int = 0) -> dict:
    key = jax.random.key(seed)
    ks = jax.random.split(key, 10)
    x = jax.random.normal(ks[0], (N, D), dtype=jnp.float32)
    edge_index = jax.random.randint(ks[1], (2, E), 0, N, dtype=jnp.int32)
    batch = jnp.sort(jax.random.randint(ks[2], (N,), 0, G, dtype=jnp.int32))
    W1_0, b1_0 = _init_linear(ks[3], D, H)
    W2_0, b2_0 = _init_linear(ks[4], H, H)
    W1_1, b1_1 = _init_linear(ks[5], H, H)
    W2_1, b2_1 = _init_linear(ks[6], H, H)
    Wf, bf = _init_linear(ks[7], H, 1)
    return {"x": x, "edge_index": edge_index, "batch": batch,
            "W1_0": W1_0, "b1_0": b1_0, "W2_0": W2_0, "b2_0": b2_0,
            "W1_1": W1_1, "b1_1": b1_1, "W2_1": W2_1, "b2_1": b2_1,
            "Wf": Wf, "bf": bf}


def _gin_conv(x, src, dst, W1, b1, W2, b2):
    # message = x_j (source node features), sum-aggregated at destination
    agg = jax.ops.segment_sum(x[src], dst, num_segments=N)
    h = (1.0 + 0.0) * x + agg  # eps = 0 (GINConv default)
    h = jax.nn.relu(h @ W1 + b1)
    h = jax.nn.relu(h @ W2 + b2)
    return h


def reference(x, edge_index, batch, W1_0, b1_0, W2_0, b2_0, W1_1, b1_1, W2_1, b2_1, Wf, bf):
    src = edge_index[0]
    dst = edge_index[1]
    h = _gin_conv(x, src, dst, W1_0, b1_0, W2_0, b2_0)
    h = jax.nn.relu(h)
    h = _gin_conv(h, src, dst, W1_1, b1_1, W2_1, b2_1)
    h = jax.nn.relu(h)
    # global_mean_pool over graph assignment `batch`
    sums = jax.ops.segment_sum(h, batch, num_segments=G)
    counts = jax.ops.segment_sum(jnp.ones((N,), dtype=jnp.float32), batch, num_segments=G)
    pooled = sums / jnp.maximum(counts, 1.0)[:, None]
    out = pooled @ Wf + bf
    return jnp.squeeze(out, axis=-1)

if __name__ == "__main__":
    import jax
    _d = setup_inputs()
    print(jax.jit(kernel)(*tuple(_d.values())))

</pallas_src>

<mosaic_0001>
#map = affine_map<(d0, d1) -> (0, 0)>
#map1 = affine_map<(d0, d1) -> (0, 0, 0)>
module attributes {stable_mosaic.version = 14 : i64} {
  func.func @agg(%arg0: i32, %arg1: i32, %arg2: memref<10000x128xf32, #tpu.memory_space<hbm>>, %arg3: memref<32x80x128xi32, #tpu.memory_space<hbm>>, %arg4: memref<32x80x128xi32, #tpu.memory_space<hbm>>, %arg5: memref<2x10000x128xf32, #tpu.memory_space<hbm>>, %arg6: memref<40x128xi32, #tpu.memory_space<vmem>>, %arg7: memref<40x128xi32, #tpu.memory_space<vmem>>, %arg8: memref<2x128x128xf32, #tpu.memory_space<vmem>>, %arg9: memref<40x128xf32, #tpu.memory_space<vmem>>, %arg10: memref<10128x128xf32, #tpu.memory_space<vmem_shared>>, %arg11: memref<!tpu.dma_semaphore, #tpu.memory_space<semaphore_mem>>, %arg12: memref<!tpu.dma_semaphore, #tpu.memory_space<semaphore_mem>>, %arg13: memref<!tpu.dma_semaphore, #tpu.memory_space<semaphore_mem>>, %arg14: memref<!tpu.dma_semaphore, #tpu.memory_space<semaphore_mem>>) attributes {dimension_semantics = [#tpu.dimension_semantics<core_parallel>, #tpu.dimension_semantics<subcore_parallel>], iteration_bounds = array<i64: 2, 16>, scalar_prefetch = 0 : i64, scratch_operands = 9 : i64, tpu.core_type = #tpu.core_type<sc_vector_subcore>, window_params = [{transform_indices = #map}, {transform_indices = #map1}, {transform_indices = #map1}, {transform_indices = #map1}]} {
    %mul3A = arith.constant 16 : i32
    %mul3A_0 = arith.muli %arg0, %mul3A : i32
    %add3A = arith.addi %mul3A_0, %arg1 : i32
    "tpu.region"() ({
      %run_scoped3A = tpu.sem_alloc : memref<!tpu.dma_semaphore, #tpu.memory_space<semaphore_mem>>
      %dma_start3A_46 = arith.constant 0 : i32
      %dma_start3A_47 = arith.constant 0 : i32
      %dma_start3A_48 = tpu.memref_slice %arg3[%add3A, %dma_start3A_46, %dma_start3A_47] : memref<32x80x128xi32, #tpu.memory_space<hbm>> -> memref<1x40x128xi32, #tpu.memory_space<hbm>>
      %dma_start3A_49 = tpu.memref_squeeze %dma_start3A_48 : memref<1x40x128xi32, #tpu.memory_space<hbm>> -> memref<40x128xi32, #tpu.memory_space<hbm>>
      %dma_start3A_50 = arith.constant 0 : i32
      %dma_start3A_51 = arith.constant 0 : i32
      %dma_start3A_52 = tpu.memref_slice %arg3[%add3A, %dma_start3A_50, %dma_start3A_51] : memref<32x80x128xi32, #tpu.memory_space<hbm>> -> memref<1x40x128xi32, #tpu.memory_space<hbm>>
      %dma_start3A_53 = tpu.memref_squeeze %dma_start3A_52 : memref<1x40x128xi32, #tpu.memory_space<hbm>> -> memref<40x128xi32, #tpu.memory_space<hbm>>
      tpu.enqueue_dma source(%dma_start3A_53 : memref<40x128xi32, #tpu.memory_space<hbm>>) target(%arg6 : memref<40x128xi32, #tpu.memory_space<vmem>>) target_semaphore(%run_scoped3A : memref<!tpu.dma_semaphore, #tpu.memory_space<semaphore_mem>>)
      %dma_wait3A = arith.constant 0 : i32
      %dma_wait3A_54 = arith.constant 0 : i32
      %dma_wait3A_55 = tpu.memref_slice %arg3[%add3A, %dma_wait3A, %dma_wait3A_54] : memref<32x80x128xi32, #tpu.memory_space<hbm>> -> memref<1x40x128xi32, #tpu.memory_space<hbm>>
      %dma_wait3A_56 = tpu.memref_squeeze %dma_wait3A_55 : memref<1x40x128xi32, #tpu.memory_space<hbm>> -> memref<40x128xi32, #tpu.memory_space<hbm>>
      %dma_wait3A_57 = arith.constant 0 : i32
      %dma_wait3A_58 = arith.constant 0 : i32
      %dma_wait3A_59 = tpu.memref_slice %arg3[%add3A, %dma_wait3A_57, %dma_wait3A_58] : memref<32x80x128xi32, #tpu.memory_space<hbm>> -> memref<1x40x128xi32, #tpu.memory_space<hbm>>
      %dma_wait3A_60 = tpu.memref_squeeze %dma_wait3A_59 : memref<1x40x128xi32, #tpu.memory_space<hbm>> -> memref<40x128xi32, #tpu.memory_space<hbm>>
      tpu.wait_dma2 semaphore(%run_scoped3A : memref<!tpu.dma_semaphore, #tpu.memory_space<semaphore_mem>>) src(%dma_wait3A_60 : memref<40x128xi32, #tpu.memory_space<hbm>>) dst(%arg6 : memref<40x128xi32, #tpu.memory_space<vmem>>)
      tpu.yield
    }) : () -> ()
    "tpu.region"() ({
      %run_scoped3A = tpu.sem_alloc : memref<!tpu.dma_semaphore, #tpu.memory_space<semaphore_mem>>
      %dma_start3A_46 = arith.constant 0 : i32
      %dma_start3A_47 = arith.constant 0 : i32
      %dma_start3A_48 = tpu.memref_slice %arg4[%add3A, %dma_start3A_46, %dma_start3A_47] : memref<32x80x128xi32, #tpu.memory_space<hbm>> -> memref<1x40x128xi32, #tpu.memory_space<hbm>>
      %dma_start3A_49 = tpu.memref_squeeze %dma_start3A_48 : memref<1x40x128xi32, #tpu.memory_space<hbm>> -> memref<40x128xi32, #tpu.memory_space<hbm>>
      %dma_start3A_50 = arith.constant 0 : i32
      %dma_start3A_51 = arith.constant 0 : i32
      %dma_start3A_52 = tpu.memref_slice %arg4[%add3A, %dma_start3A_50, %dma_start3A_51] : memref<32x80x128xi32, #tpu.memory_space<hbm>> -> memref<1x40x128xi32, #tpu.memory_space<hbm>>
      %dma_start3A_53 = tpu.memref_squeeze %dma_start3A_52 : memref<1x40x128xi32, #tpu.memory_space<hbm>> -> memref<40x128xi32, #tpu.memory_space<hbm>>
      tpu.enqueue_dma source(%dma_start3A_53 : memref<40x128xi32, #tpu.memory_space<hbm>>) target(%arg7 : memref<40x128xi32, #tpu.memory_space<vmem>>) target_semaphore(%run_scoped3A : memref<!tpu.dma_semaphore, #tpu.memory_space<semaphore_mem>>)
      %dma_wait3A = arith.constant 0 : i32
      %dma_wait3A_54 = arith.constant 0 : i32
      %dma_wait3A_55 = tpu.memref_slice %arg4[%add3A, %dma_wait3A, %dma_wait3A_54] : memref<32x80x128xi32, #tpu.memory_space<hbm>> -> memref<1x40x128xi32, #tpu.memory_space<hbm>>
      %dma_wait3A_56 = tpu.memref_squeeze %dma_wait3A_55 : memref<1x40x128xi32, #tpu.memory_space<hbm>> -> memref<40x128xi32, #tpu.memory_space<hbm>>
      %dma_wait3A_57 = arith.constant 0 : i32
      %dma_wait3A_58 = arith.constant 0 : i32
      %dma_wait3A_59 = tpu.memref_slice %arg4[%add3A, %dma_wait3A_57, %dma_wait3A_58] : memref<32x80x128xi32, #tpu.memory_space<hbm>> -> memref<1x40x128xi32, #tpu.memory_space<hbm>>
      %dma_wait3A_60 = tpu.memref_squeeze %dma_wait3A_59 : memref<1x40x128xi32, #tpu.memory_space<hbm>> -> memref<40x128xi32, #tpu.memory_space<hbm>>
      tpu.wait_dma2 semaphore(%run_scoped3A : memref<!tpu.dma_semaphore, #tpu.memory_space<semaphore_mem>>) src(%dma_wait3A_60 : memref<40x128xi32, #tpu.memory_space<hbm>>) dst(%arg7 : memref<40x128xi32, #tpu.memory_space<vmem>>)
      tpu.yield
    }) : () -> ()
    %dma_start3A = arith.constant 0 : i32
    %dma_start3A_1 = arith.constant 0 : i32
    %dma_start3A_2 = arith.constant 0 : i32
    %dma_start3A_3 = arith.constant 0 : i32
    %dma_start3A_4 = tpu.memref_slice %arg8[%dma_start3A_1, %dma_start3A_2, %dma_start3A_3] : memref<2x128x128xf32, #tpu.memory_space<vmem>> -> memref<1x128x128xf32, #tpu.memory_space<vmem>>
    %dma_start3A_5 = tpu.memref_squeeze %dma_start3A_4 : memref<1x128x128xf32, #tpu.memory_space<vmem>> -> memref<128x128xf32, #tpu.memory_space<vmem>>
    %dma_start3A_6 = arith.constant 0 : i32
    %dma_start3A_7 = tpu.memref_slice %arg6[%dma_start3A, %dma_start3A_6] : memref<40x128xi32, #tpu.memory_space<vmem>> -> memref<1x128xi32, #tpu.memory_space<vmem>>
    %dma_start3A_8 = tpu.memref_squeeze %dma_start3A_7 : memref<1x128xi32, #tpu.memory_space<vmem>> -> memref<128xi32, #tpu.memory_space<vmem>>
    %dma_start3A_9 = arith.constant 0 : i32
    %dma_start3A_10 = arith.constant 0 : i32
    %dma_start3A_11 = tpu.memref_slice %arg2[%dma_start3A_9, %dma_start3A_10] : memref<10000x128xf32, #tpu.memory_space<hbm>> -> memref<10000x128xf32, #tpu.memory_space<hbm>>
    tpu.enqueue_indirect_dma source(%dma_start3A_11 : memref<10000x128xf32, #tpu.memory_space<hbm>>) target(%dma_start3A_5 : memref<128x128xf32, #tpu.memory_space<vmem>>) offsets(%dma_start3A_8 : memref<128xi32, #tpu.memory_space<vmem>>) semaphore(%arg11 : memref<!tpu.dma_semaphore, #tpu.memory_space<semaphore_mem>>)
    %scan3A = arith.constant 0 : i32
    %scan3A_12 = arith.constant 40 : i32
    %scan3A_13 = arith.addi %scan3A, %scan3A_12 : i32
    %scan3A_14 = arith.constant 1 : i32
    scf.for %scan3A_46 = %scan3A to %scan3A_13 step %scan3A_14  : i32 {
      %mul3A_47 = arith.constant 1 : i32
      %mul3A_48 = arith.muli %scan3A_46, %mul3A_47 : i32
      %add3A_49 = arith.constant 0 : i32
      %add3A_50 = arith.addi %add3A_49, %mul3A_48 : i32
      %scan3A_51 = arith.constant 0 : i32
      %scan3A_52 = arith.constant 8 : i32
      %scan3A_53 = arith.addi %scan3A_51, %scan3A_52 : i32
      %scan3A_54 = arith.constant 1 : i32
      scf.for %scan3A_56 = %scan3A_51 to %scan3A_53 step %scan3A_54  : i32 {
        %mul3A_57 = arith.constant 16 : i32
        %mul3A_58 = arith.muli %scan3A_56, %mul3A_57 : i32
        %add3A_59 = arith.constant 0 : i32
        %add3A_60 = arith.addi %add3A_59, %mul3A_58 : i32
        %broadcast_in_dim3A = arith.constant 0.000000e+00 : f32
        %broadcast_in_dim3A_61 = vector.broadcast %broadcast_in_dim3A : f32 to vector<16xf32>
        %swap3A = arith.index_cast %add3A_50 : i32 to index
        %swap3A_62 = arith.index_cast %add3A_60 : i32 to index
        %swap3A_63 = tpu.vector_load %arg9[%swap3A, %swap3A_62] {strides = array<i32>} : memref<40x128xf32, #tpu.memory_space<vmem>>, vector<1x16xf32>,
        %swap3A_64 = vector.shape_cast %swap3A_63 : vector<1x16xf32> to vector<16xf32>
        %swap3A_65 = vector.shape_cast %broadcast_in_dim3A_61 : vector<16xf32> to vector<1x16xf32>
        tpu.vector_store %arg9[%swap3A, %swap3A_62], %swap3A_65 {strides = array<i32>} : memref<40x128xf32, #tpu.memory_space<vmem>>, vector<1x16xf32>,
      }
      %scan3A_55 = arith.constant 8 : i32
    }
    %scan3A_15 = arith.constant 40 : i32
    %scan3A_16 = arith.constant 0 : i32
    %scan3A_17 = arith.constant 16 : i32
    %scan3A_18 = arith.addi %scan3A_16, %scan3A_17 : i32
    %scan3A_19 = arith.constant 1 : i32
    scf.for %scan3A_46 = %scan3A_16 to %scan3A_18 step %scan3A_19  : i32 {
      %mul3A_47 = arith.constant 1 : i32
      %mul3A_48 = arith.muli %scan3A_46, %mul3A_47 : i32
      %add3A_49 = arith.constant 0 : i32
      %add3A_50 = arith.addi %add3A_49, %mul3A_48 : i32
      %mul3A_51 = arith.constant 16 : i32
      %mul3A_52 = arith.muli %add3A_50, %mul3A_51 : i32
      %add3A_53 = arith.addi %mul3A_52, %arg1 : i32
      %lt3A_54 = arith.constant 250 : i32
      %lt3A_55 = arith.cmpi slt, %add3A_53, %lt3A_54 : i32
      %convert_element_type3A_56 = arith.extui %lt3A_55 : i1 to i32
      %cond3A_57 = arith.constant 0 : i32
      %cond3A_58 = arith.cmpi ne, %convert_element_type3A_56, %cond3A_57 : i32
      scf.if %cond3A_58 {
        %mul3A_59 = arith.constant 40 : i32
        %mul3A_60 = arith.muli %add3A_53, %mul3A_59 : i32
        "tpu.region"() ({
          %run_scoped3A = tpu.sem_alloc : memref<!tpu.dma_semaphore, #tpu.memory_space<semaphore_mem>>
          %dma_start3A_61 = arith.constant 0 : i32
          %dma_start3A_62 = tpu.memref_slice %arg10[%mul3A_60, %dma_start3A_61] : memref<10128x128xf32, #tpu.memory_space<vmem_shared>> -> memref<40x128xf32, #tpu.memory_space<vmem_shared>>
          %dma_start3A_63 = arith.constant 0 : i32
          %dma_start3A_64 = tpu.memref_slice %arg10[%mul3A_60, %dma_start3A_63] : memref<10128x128xf32, #tpu.memory_space<vmem_shared>> -> memref<40x128xf32, #tpu.memory_space<vmem_shared>>
          tpu.enqueue_dma source(%arg9 : memref<40x128xf32, #tpu.memory_space<vmem>>) target(%dma_start3A_64 : memref<40x128xf32, #tpu.memory_space<vmem_shared>>) target_semaphore(%run_scoped3A : memref<!tpu.dma_semaphore, #tpu.memory_space<semaphore_mem>>)
          %dma_wait3A = arith.constant 0 : i32
          %dma_wait3A_65 = tpu.memref_slice %arg10[%mul3A_60, %dma_wait3A] : memref<10128x128xf32, #tpu.memory_space<vmem_shared>> -> memref<40x128xf32, #tpu.memory_space<vmem_shared>>
          %dma_wait3A_66 = arith.constant 0 : i32
          %dma_wait3A_67 = tpu.memref_slice %arg10[%mul3A_60, %dma_wait3A_66] : memref<10128x128xf32, #tpu.memory_space<vmem_shared>> -> memref<40x128xf32, #tpu.memory_space<vmem_shared>>
          tpu.wait_dma2 semaphore(%run_scoped3A : memref<!tpu.dma_semaphore, #tpu.memory_space<semaphore_mem>>) src(%arg9 : memref<40x128xf32, #tpu.memory_space<vmem>>) dst(%dma_wait3A_67 : memref<40x128xf32, #tpu.memory_space<vmem_shared>>)
          tpu.yield
        }) : () -> ()
      } else {
      }
    }
    %scan3A_20 = arith.constant 16 : i32
    %barrier3A = arith.constant 0 : index
    tpu.barrier barrier_id(%barrier3A)
    %scan3A_21 = arith.constant 0 : i32
    %scan3A_22 = arith.constant 20 : i32
    %scan3A_23 = arith.addi %scan3A_21, %scan3A_22 : i32
    %scan3A_24 = arith.constant 1 : i32
    scf.for %scan3A_46 = %scan3A_21 to %scan3A_23 step %scan3A_24  : i32 {
      %mul3A_47 = arith.constant 2 : i32
      %mul3A_48 = arith.muli %scan3A_46, %mul3A_47 : i32
      %add3A_49 = arith.constant 0 : i32
      %add3A_50 = arith.addi %add3A_49, %mul3A_48 : i32
      %add3A_51 = arith.constant 1 : i32
      %add3A_52 = arith.addi %add3A_50, %add3A_51 : i32
      %dma_start3A_53 = arith.constant 1 : i32
      %dma_start3A_54 = arith.constant 0 : i32
      %dma_start3A_55 = arith.constant 0 : i32
      %dma_start3A_56 = tpu.memref_slice %arg8[%dma_start3A_53, %dma_start3A_54, %dma_start3A_55] : memref<2x128x128xf32, #tpu.memory_space<vmem>> -> memref<1x128x128xf32, #tpu.memory_space<vmem>>
      %dma_start3A_57 = tpu.memref_squeeze %dma_start3A_56 : memref<1x128x128xf32, #tpu.memory_space<vmem>> -> memref<128x128xf32, #tpu.memory_space<vmem>>
      %dma_start3A_58 = arith.constant 0 : i32
      %dma_start3A_59 = tpu.memref_slice %arg6[%add3A_52, %dma_start3A_58] : memref<40x128xi32, #tpu.memory_space<vmem>> -> memref<1x128xi32, #tpu.memory_space<vmem>>
      %dma_start3A_60 = tpu.memref_squeeze %dma_start3A_59 : memref<1x128xi32, #tpu.memory_space<vmem>> -> memref<128xi32, #tpu.memory_space<vmem>>
      %dma_start3A_61 = arith.constant 0 : i32
      %dma_start3A_62 = arith.constant 0 : i32
      %dma_start3A_63 = tpu.memref_slice %arg2[%dma_start3A_61, %dma_start3A_62] : memref<10000x128xf32, #tpu.memory_space<hbm>> -> memref<10000x128xf32, #tpu.memory_space<hbm>>
      tpu.enqueue_indirect_dma source(%dma_start3A_63 : memref<10000x128xf32, #tpu.memory_space<hbm>>) target(%dma_start3A_57 : memref<128x128xf32, #tpu.memory_space<vmem>>) offsets(%dma_start3A_60 : memref<128xi32, #tpu.memory_space<vmem>>) semaphore(%arg12 : memref<!tpu.dma_semaphore, #tpu.memory_space<semaphore_mem>>)
      %dma_wait3A = arith.constant 0 : i32
      %dma_wait3A_64 = arith.constant 0 : i32
      %dma_wait3A_65 = arith.constant 0 : i32
      %dma_wait3A_66 = tpu.memref_slice %arg8[%dma_wait3A, %dma_wait3A_64, %dma_wait3A_65] : memref<2x128x128xf32, #tpu.memory_space<vmem>> -> memref<1x128x128xf32, #tpu.memory_space<vmem>>
      %dma_wait3A_67 = tpu.memref_squeeze %dma_wait3A_66 : memref<1x128x128xf32, #tpu.memory_space<vmem>> -> memref<128x128xf32, #tpu.memory_space<vmem>>
      %dma_wait3A_68 = arith.constant 0 : i32
      %dma_wait3A_69 = tpu.memref_slice %arg6[%add3A_50, %dma_wait3A_68] : memref<40x128xi32, #tpu.memory_space<vmem>> -> memref<1x128xi32, #tpu.memory_space<vmem>>
      %dma_wait3A_70 = tpu.memref_squeeze %dma_wait3A_69 : memref<1x128xi32, #tpu.memory_space<vmem>> -> memref<128xi32, #tpu.memory_space<vmem>>
      %dma_wait3A_71 = arith.constant 0 : i32
      %dma_wait3A_72 = arith.constant 0 : i32
      %dma_wait3A_73 = tpu.memref_slice %arg2[%dma_wait3A_71, %dma_wait3A_72] : memref<10000x128xf32, #tpu.memory_space<hbm>> -> memref<10000x128xf32, #tpu.memory_space<hbm>>
      tpu.wait_indirect_dma semaphore(%arg11 : memref<!tpu.dma_semaphore, #tpu.memory_space<semaphore_mem>>) src(%dma_wait3A_73 : memref<10000x128xf32, #tpu.memory_space<hbm>>) dst(%dma_wait3A_67 : memref<128x128xf32, #tpu.memory_space<vmem>>)
      %run_scoped3A = arith.constant 0 : i32
      "tpu.region"() ({
        %run_scoped3A_97 = tpu.sem_alloc : memref<!tpu.dma_semaphore, #tpu.memory_space<semaphore_mem>>
        %dma_start3A_98 = arith.constant 0 : i32
        %dma_start3A_99 = arith.constant 0 : i32
        %dma_start3A_100 = tpu.memref_slice %arg8[%run_scoped3A, %dma_start3A_98, %dma_start3A_99] : memref<2x128x128xf32, #tpu.memory_space<vmem>> -> memref<1x128x128xf32, #tpu.memory_space<vmem>>
        %dma_start3A_101 = tpu.memref_squeeze %dma_start3A_100 : memref<1x128x128xf32, #tpu.memory_space<vmem>> -> memref<128x128xf32, #tpu.memory_space<vmem>>
        %dma_start3A_102 = arith.constant 0 : i32
        %dma_start3A_103 = tpu.memref_slice %arg7[%add3A_50, %dma_start3A_102] : memref<40x128xi32, #tpu.memory_space<vmem>> -> memref<1x128xi32, #tpu.memory_space<vmem>>
        %dma_start3A_104 = tpu.memref_squeeze %dma_start3A_103 : memref<1x128xi32, #tpu.memory_space<vmem>> -> memref<128xi32, #tpu.memory_space<vmem>>
        %dma_start3A_105 = arith.constant 0 : i32
        %dma_start3A_106 = arith.constant 0 : i32
        %dma_start3A_107 = tpu.memref_slice %arg10[%dma_start3A_105, %dma_start3A_106] : memref<10128x128xf32, #tpu.memory_space<vmem_shared>> -> memref<10128x128xf32, #tpu.memory_space<vmem_shared>>
        tpu.enqueue_indirect_dma source(%dma_start3A_101 : memref<128x128xf32, #tpu.memory_space<vmem>>) target(%dma_start3A_107 : memref<10128x128xf32, #tpu.memory_space<vmem_shared>>) offsets(%dma_start3A_104 : memref<128xi32, #tpu.memory_space<vmem>>) semaphore(%run_scoped3A_97 : memref<!tpu.dma_semaphore, #tpu.memory_space<semaphore_mem>>) {add = true}
        %dma_wait3A_108 = arith.constant 0 : i32
        %dma_wait3A_109 = arith.constant 0 : i32
        %dma_wait3A_110 = tpu.memref_slice %arg8[%run_scoped3A, %dma_wait3A_108, %dma_wait3A_109] : memref<2x128x128xf32, #tpu.memory_space<vmem>> -> memref<1x128x128xf32, #tpu.memory_space<vmem>>
        %dma_wait3A_111 = tpu.memref_squeeze %dma_wait3A_110 : memref<1x128x128xf32, #tpu.memory_space<vmem>> -> memref<128x128xf32, #tpu.memory_space<vmem>>
        %dma_wait3A_112 = arith.constant 0 : i32
        %dma_wait3A_113 = tpu.memref_slice %arg7[%add3A_50, %dma_wait3A_112] : memref<40x128xi32, #tpu.memory_space<vmem>> -> memref<1x128xi32, #tpu.memory_space<vmem>>
        %dma_wait3A_114 = tpu.memref_squeeze %dma_wait3A_113 : memref<1x128xi32, #tpu.memory_space<vmem>> -> memref<128xi32, #tpu.memory_space<vmem>>
        %dma_wait3A_115 = arith.constant 0 : i32
        %dma_wait3A_116 = arith.constant 0 : i32
        %dma_wait3A_117 = tpu.memref_slice %arg10[%dma_wait3A_115, %dma_wait3A_116] : memref<10128x128xf32, #tpu.memory_space<vmem_shared>> -> memref<10128x128xf32, #tpu.memory_space<vmem_shared>>
        tpu.wait_indirect_dma semaphore(%run_scoped3A_97 : memref<!tpu.dma_semaphore, #tpu.memory_space<semaphore_mem>>) src(%dma_wait3A_111 : memref<128x128xf32, #tpu.memory_space<vmem>>) dst(%dma_wait3A_117 : memref<10128x128xf32, #tpu.memory_space<vmem_shared>>)
        tpu.yield
      }) : () -> ()
      %add3A_74 = arith.constant 2 : i32
      %add3A_75 = arith.addi %add3A_50, %add3A_74 : i32
      %lt3A_76 = arith.constant 40 : i32
      %lt3A_77 = arith.cmpi slt, %add3A_75, %lt3A_76 : i32
      %convert_element_type3A_78 = arith.extui %lt3A_77 : i1 to i32
      %cond3A_79 = arith.constant 0 : i32
      %cond3A_80 = arith.cmpi ne, %convert_element_type3A_78, %cond3A_79 : i32
      scf.if %cond3A_80 {
        %add3A_97 = arith.constant 2 : i32
        %add3A_98 = arith.addi %add3A_50, %add3A_97 : i32
        %dma_start3A_99 = arith.constant 0 : i32
        %dma_start3A_100 = arith.constant 0 : i32
        %dma_start3A_101 = arith.constant 0 : i32
        %dma_start3A_102 = tpu.memref_slice %arg8[%dma_start3A_99, %dma_start3A_100, %dma_start3A_101] : memref<2x128x128xf32, #tpu.memory_space<vmem>> -> memref<1x128x128xf32, #tpu.memory_space<vmem>>
        %dma_start3A_103 = tpu.memref_squeeze %dma_start3A_102 : memref<1x128x128xf32, #tpu.memory_space<vmem>> -> memref<128x128xf32, #tpu.memory_space<vmem>>
        %dma_start3A_104 = arith.constant 0 : i32
        %dma_start3A_105 = tpu.memref_slice %arg6[%add3A_98, %dma_start3A_104] : memref<40x128xi32, #tpu.memory_space<vmem>> -> memref<1x128xi32, #tpu.memory_space<vmem>>
        %dma_start3A_106 = tpu.memref_squeeze %dma_start3A_105 : memref<1x128xi32, #tpu.memory_space<vmem>> -> memref<128xi32, #tpu.memory_space<vmem>>
        %dma_start3A_107 = arith.constant 0 : i32
        %dma_start3A_108 = arith.constant 0 : i32
        %dma_start3A_109 = tpu.memref_slice %arg2[%dma_start3A_107, %dma_start3A_108] : memref<10000x128xf32, #tpu.memory_space<hbm>> -> memref<10000x128xf32, #tpu.memory_space<hbm>>
        tpu.enqueue_indirect_dma source(%dma_start3A_109 : memref<10000x128xf32, #tpu.memory_space<hbm>>) target(%dma_start3A_103 : memref<128x128xf32, #tpu.memory_space<vmem>>) offsets(%dma_start3A_106 : memref<128xi32, #tpu.memory_space<vmem>>) semaphore(%arg11 : memref<!tpu.dma_semaphore, #tpu.memory_space<semaphore_mem>>)
      } else {
      }
      %add3A_81 = arith.constant 1 : i32
      %add3A_82 = arith.addi %add3A_50, %add3A_81 : i32
      %dma_wait3A_83 = arith.constant 1 : i32
      %dma_wait3A_84 = arith.constant 0 : i32
      %dma_wait3A_85 = arith.constant 0 : i32
      %dma_wait3A_86 = tpu.memref_slice %arg8[%dma_wait3A_83, %dma_wait3A_84, %dma_wait3A_85] : memref<2x128x128xf32, #tpu.memory_space<vmem>> -> memref<1x128x128xf32, #tpu.memory_space<vmem>>
      %dma_wait3A_87 = tpu.memref_squeeze %dma_wait3A_86 : memref<1x128x128xf32, #tpu.memory_space<vmem>> -> memref<128x128xf32, #tpu.memory_space<vmem>>
      %dma_wait3A_88 = arith.constant 0 : i32
      %dma_wait3A_89 = tpu.memref_slice %arg6[%add3A_82, %dma_wait3A_88] : memref<40x128xi32, #tpu.memory_space<vmem>> -> memref<1x128xi32, #tpu.memory_space<vmem>>
      %dma_wait3A_90 = tpu.memref_squeeze %dma_wait3A_89 : memref<1x128xi32, #tpu.memory_space<vmem>> -> memref<128xi32, #tpu.memory_space<vmem>>
      %dma_wait3A_91 = arith.constant 0 : i32
      %dma_wait3A_92 = arith.constant 0 : i32
      %dma_wait3A_93 = tpu.memref_slice %arg2[%dma_wait3A_91, %dma_wait3A_92] : memref<10000x128xf32, #tpu.memory_space<hbm>> -> memref<10000x128xf32, #tpu.memory_space<hbm>>
      tpu.wait_indirect_dma semaphore(%arg12 : memref<!tpu.dma_semaphore, #tpu.memory_space<semaphore_mem>>) src(%dma_wait3A_93 : memref<10000x128xf32, #tpu.memory_space<hbm>>) dst(%dma_wait3A_87 : memref<128x128xf32, #tpu.memory_space<vmem>>)
      %add3A_94 = arith.constant 1 : i32
      %add3A_95 = arith.addi %add3A_50, %add3A_94 : i32
      %run_scoped3A_96 = arith.constant 1 : i32
      "tpu.region"() ({
        %run_scoped3A_97 = tpu.sem_alloc : memref<!tpu.dma_semaphore, #tpu.memory_space<semaphore_mem>>
        %dma_start3A_98 = arith.constant 0 : i32
        %dma_start3A_99 = arith.constant 0 : i32
        %dma_start3A_100 = tpu.memref_slice %arg8[%run_scoped3A_96, %dma_start3A_98, %dma_start3A_99] : memref<2x128x128xf32, #tpu.memory_space<vmem>> -> memref<1x128x128xf32, #tpu.memory_space<vmem>>
        %dma_start3A_101 = tpu.memref_squeeze %dma_start3A_100 : memref<1x128x128xf32, #tpu.memory_space<vmem>> -> memref<128x128xf32, #tpu.memory_space<vmem>>
        %dma_start3A_102 = arith.constant 0 : i32
        %dma_start3A_103 = tpu.memref_slice %arg7[%add3A_95, %dma_start3A_102] : memref<40x128xi32, #tpu.memory_space<vmem>> -> memref<1x128xi32, #tpu.memory_space<vmem>>
        %dma_start3A_104 = tpu.memref_squeeze %dma_start3A_103 : memref<1x128xi32, #tpu.memory_space<vmem>> -> memref<128xi32, #tpu.memory_space<vmem>>
        %dma_start3A_105 = arith.constant 0 : i32
        %dma_start3A_106 = arith.constant 0 : i32
        %dma_start3A_107 = tpu.memref_slice %arg10[%dma_start3A_105, %dma_start3A_106] : memref<10128x128xf32, #tpu.memory_space<vmem_shared>> -> memref<10128x128xf32, #tpu.memory_space<vmem_shared>>
        tpu.enqueue_indirect_dma source(%dma_start3A_101 : memref<128x128xf32, #tpu.memory_space<vmem>>) target(%dma_start3A_107 : memref<10128x128xf32, #tpu.memory_space<vmem_shared>>) offsets(%dma_start3A_104 : memref<128xi32, #tpu.memory_space<vmem>>) semaphore(%run_scoped3A_97 : memref<!tpu.dma_semaphore, #tpu.memory_space<semaphore_mem>>) {add = true}
        %dma_wait3A_108 = arith.constant 0 : i32
        %dma_wait3A_109 = arith.constant 0 : i32
        %dma_wait3A_110 = tpu.memref_slice %arg8[%run_scoped3A_96, %dma_wait3A_108, %dma_wait3A_109] : memref<2x128x128xf32, #tpu.memory_space<vmem>> -> memref<1x128x128xf32, #tpu.memory_space<vmem>>
        %dma_wait3A_111 = tpu.memref_squeeze %dma_wait3A_110 : memref<1x128x128xf32, #tpu.memory_space<vmem>> -> memref<128x128xf32, #tpu.memory_space<vmem>>
        %dma_wait3A_112 = arith.constant 0 : i32
        %dma_wait3A_113 = tpu.memref_slice %arg7[%add3A_95, %dma_wait3A_112] : memref<40x128xi32, #tpu.memory_space<vmem>> -> memref<1x128xi32, #tpu.memory_space<vmem>>
        %dma_wait3A_114 = tpu.memref_squeeze %dma_wait3A_113 : memref<1x128xi32, #tpu.memory_space<vmem>> -> memref<128xi32, #tpu.memory_space<vmem>>
        %dma_wait3A_115 = arith.constant 0 : i32
        %dma_wait3A_116 = arith.constant 0 : i32
        %dma_wait3A_117 = tpu.memref_slice %arg10[%dma_wait3A_115, %dma_wait3A_116] : memref<10128x128xf32, #tpu.memory_space<vmem_shared>> -> memref<10128x128xf32, #tpu.memory_space<vmem_shared>>
        tpu.wait_indirect_dma semaphore(%run_scoped3A_97 : memref<!tpu.dma_semaphore, #tpu.memory_space<semaphore_mem>>) src(%dma_wait3A_111 : memref<128x128xf32, #tpu.memory_space<vmem>>) dst(%dma_wait3A_117 : memref<10128x128xf32, #tpu.memory_space<vmem_shared>>)
        tpu.yield
      }) : () -> ()
    }
    %scan3A_25 = arith.constant 20 : i32
    "tpu.region"() ({
      %run_scoped3A = tpu.sem_alloc : memref<!tpu.dma_semaphore, #tpu.memory_space<semaphore_mem>>
      %dma_start3A_46 = arith.constant 40 : i32
      %dma_start3A_47 = arith.constant 0 : i32
      %dma_start3A_48 = tpu.memref_slice %arg3[%add3A, %dma_start3A_46, %dma_start3A_47] : memref<32x80x128xi32, #tpu.memory_space<hbm>> -> memref<1x40x128xi32, #tpu.memory_space<hbm>>
      %dma_start3A_49 = tpu.memref_squeeze %dma_start3A_48 : memref<1x40x128xi32, #tpu.memory_space<hbm>> -> memref<40x128xi32, #tpu.memory_space<hbm>>
      %dma_start3A_50 = arith.constant 40 : i32
      %dma_start3A_51 = arith.constant 0 : i32
      %dma_start3A_52 = tpu.memref_slice %arg3[%add3A, %dma_start3A_50, %dma_start3A_51] : memref<32x80x128xi32, #tpu.memory_space<hbm>> -> memref<1x40x128xi32, #tpu.memory_space<hbm>>
      %dma_start3A_53 = tpu.memref_squeeze %dma_start3A_52 : memref<1x40x128xi32, #tpu.memory_space<hbm>> -> memref<40x128xi32, #tpu.memory_space<hbm>>
      tpu.enqueue_dma source(%dma_start3A_53 : memref<40x128xi32, #tpu.memory_space<hbm>>) target(%arg6 : memref<40x128xi32, #tpu.memory_space<vmem>>) target_semaphore(%run_scoped3A : memref<!tpu.dma_semaphore, #tpu.memory_space<semaphore_mem>>)
      %dma_wait3A = arith.constant 40 : i32
      %dma_wait3A_54 = arith.constant 0 : i32
      %dma_wait3A_55 = tpu.memref_slice %arg3[%add3A, %dma_wait3A, %dma_wait3A_54] : memref<32x80x128xi32, #tpu.memory_space<hbm>> -> memref<1x40x128xi32, #tpu.memory_space<hbm>>
      %dma_wait3A_56 = tpu.memref_squeeze %dma_wait3A_55 : memref<1x40x128xi32, #tpu.memory_space<hbm>> -> memref<40x128xi32, #tpu.memory_space<hbm>>
      %dma_wait3A_57 = arith.constant 40 : i32
      %dma_wait3A_58 = arith.constant 0 : i32
      %dma_wait3A_59 = tpu.memref_slice %arg3[%add3A, %dma_wait3A_57, %dma_wait3A_58] : memref<32x80x128xi32, #tpu.memory_space<hbm>> -> memref<1x40x128xi32, #tpu.memory_space<hbm>>
      %dma_wait3A_60 = tpu.memref_squeeze %dma_wait3A_59 : memref<1x40x128xi32, #tpu.memory_space<hbm>> -> memref<40x128xi32, #tpu.memory_space<hbm>>
      tpu.wait_dma2 semaphore(%run_scoped3A : memref<!tpu.dma_semaphore, #tpu.memory_space<semaphore_mem>>) src(%dma_wait3A_60 : memref<40x128xi32, #tpu.memory_space<hbm>>) dst(%arg6 : memref<40x128xi32, #tpu.memory_space<vmem>>)
      tpu.yield
    }) : () -> ()
    "tpu.region"() ({
      %run_scoped3A = tpu.sem_alloc : memref<!tpu.dma_semaphore, #tpu.memory_space<semaphore_mem>>
      %dma_start3A_46 = arith.constant 40 : i32
      %dma_start3A_47 = arith.constant 0 : i32
      %dma_start3A_48 = tpu.memref_slice %arg4[%add3A, %dma_start3A_46, %dma_start3A_47] : memref<32x80x128xi32, #tpu.memory_space<hbm>> -> memref<1x40x128xi32, #tpu.memory_space<hbm>>
      %dma_start3A_49 = tpu.memref_squeeze %dma_start3A_48 : memref<1x40x128xi32, #tpu.memory_space<hbm>> -> memref<40x128xi32, #tpu.memory_space<hbm>>
      %dma_start3A_50 = arith.constant 40 : i32
      %dma_start3A_51 = arith.constant 0 : i32
      %dma_start3A_52 = tpu.memref_slice %arg4[%add3A, %dma_start3A_50, %dma_start3A_51] : memref<32x80x128xi32, #tpu.memory_space<hbm>> -> memref<1x40x128xi32, #tpu.memory_space<hbm>>
      %dma_start3A_53 = tpu.memref_squeeze %dma_start3A_52 : memref<1x40x128xi32, #tpu.memory_space<hbm>> -> memref<40x128xi32, #tpu.memory_space<hbm>>
      tpu.enqueue_dma source(%dma_start3A_53 : memref<40x128xi32, #tpu.memory_space<hbm>>) target(%arg7 : memref<40x128xi32, #tpu.memory_space<vmem>>) target_semaphore(%run_scoped3A : memref<!tpu.dma_semaphore, #tpu.memory_space<semaphore_mem>>)
      %dma_wait3A = arith.constant 40 : i32
      %dma_wait3A_54 = arith.constant 0 : i32
      %dma_wait3A_55 = tpu.memref_slice %arg4[%add3A, %dma_wait3A, %dma_wait3A_54] : memref<32x80x128xi32, #tpu.memory_space<hbm>> -> memref<1x40x128xi32, #tpu.memory_space<hbm>>
      %dma_wait3A_56 = tpu.memref_squeeze %dma_wait3A_55 : memref<1x40x128xi32, #tpu.memory_space<hbm>> -> memref<40x128xi32, #tpu.memory_space<hbm>>
      %dma_wait3A_57 = arith.constant 40 : i32
      %dma_wait3A_58 = arith.constant 0 : i32
      %dma_wait3A_59 = tpu.memref_slice %arg4[%add3A, %dma_wait3A_57, %dma_wait3A_58] : memref<32x80x128xi32, #tpu.memory_space<hbm>> -> memref<1x40x128xi32, #tpu.memory_space<hbm>>
      %dma_wait3A_60 = tpu.memref_squeeze %dma_wait3A_59 : memref<1x40x128xi32, #tpu.memory_space<hbm>> -> memref<40x128xi32, #tpu.memory_space<hbm>>
      tpu.wait_dma2 semaphore(%run_scoped3A : memref<!tpu.dma_semaphore, #tpu.memory_space<semaphore_mem>>) src(%dma_wait3A_60 : memref<40x128xi32, #tpu.memory_space<hbm>>) dst(%arg7 : memref<40x128xi32, #tpu.memory_space<vmem>>)
      tpu.yield
    }) : () -> ()
    %dma_start3A_26 = arith.constant 0 : i32
    %dma_start3A_27 = arith.constant 0 : i32
    %dma_start3A_28 = arith.constant 0 : i32
    %dma_start3A_29 = arith.constant 0 : i32
    %dma_start3A_30 = tpu.memref_slice %arg8[%dma_start3A_27, %dma_start3A_28, %dma_start3A_29] : memref<2x128x128xf32, #tpu.memory_space<vmem>> -> memref<1x128x128xf32, #tpu.memory_space<vmem>>
    %dma_start3A_31 = tpu.memref_squeeze %dma_start3A_30 : memref<1x128x128xf32, #tpu.memory_space<vmem>> -> memref<128x128xf32, #tpu.memory_space<vmem>>
    %dma_start3A_32 = arith.constant 0 : i32
    %dma_start3A_33 = tpu.memref_slice %arg6[%dma_start3A_26, %dma_start3A_32] : memref<40x128xi32, #tpu.memory_space<vmem>> -> memref<1x128xi32, #tpu.memory_space<vmem>>
    %dma_start3A_34 = tpu.memref_squeeze %dma_start3A_33 : memref<1x128xi32, #tpu.memory_space<vmem>> -> memref<128xi32, #tpu.memory_space<vmem>>
    %dma_start3A_35 = arith.constant 0 : i32
    %dma_start3A_36 = arith.constant 0 : i32
    %dma_start3A_37 = tpu.memref_slice %arg2[%dma_start3A_35, %dma_start3A_36] : memref<10000x128xf32, #tpu.memory_space<hbm>> -> memref<10000x128xf32, #tpu.memory_space<hbm>>
    tpu.enqueue_indirect_dma source(%dma_start3A_37 : memref<10000x128xf32, #tpu.memory_space<hbm>>) target(%dma_start3A_31 : memref<128x128xf32, #tpu.memory_space<vmem>>) offsets(%dma_start3A_34 : memref<128xi32, #tpu.memory_space<vmem>>) semaphore(%arg11 : memref<!tpu.dma_semaphore, #tpu.memory_space<semaphore_mem>>)
    %scan3A_38 = arith.constant 0 : i32
    %scan3A_39 = arith.constant 20 : i32
    %scan3A_40 = arith.addi %scan3A_38, %scan3A_39 : i32
    %scan3A_41 = arith.constant 1 : i32
    scf.for %scan3A_46 = %scan3A_38 to %scan3A_40 step %scan3A_41  : i32 {
      %mul3A_47 = arith.constant 2 : i32
      %mul3A_48 = arith.muli %scan3A_46, %mul3A_47 : i32
      %add3A_49 = arith.constant 0 : i32
      %add3A_50 = arith.addi %add3A_49, %mul3A_48 : i32
      %add3A_51 = arith.constant 1 : i32
      %add3A_52 = arith.addi %add3A_50, %add3A_51 : i32
      %dma_start3A_53 = arith.constant 1 : i32
      %dma_start3A_54 = arith.constant 0 : i32
      %dma_start3A_55 = arith.constant 0 : i32
      %dma_start3A_56 = tpu.memref_slice %arg8[%dma_start3A_53, %dma_start3A_54, %dma_start3A_55] : memref<2x128x128xf32, #tpu.memory_space<vmem>> -> memref<1x128x128xf32, #tpu.memory_space<vmem>>
      %dma_start3A_57 = tpu.memref_squeeze %dma_start3A_56 : memref<1x128x128xf32, #tpu.memory_space<vmem>> -> memref<128x128xf32, #tpu.memory_space<vmem>>
      %dma_start3A_58 = arith.constant 0 : i32
      %dma_start3A_59 = tpu.memref_slice %arg6[%add3A_52, %dma_start3A_58] : memref<40x128xi32, #tpu.memory_space<vmem>> -> memref<1x128xi32, #tpu.memory_space<vmem>>
      %dma_start3A_60 = tpu.memref_squeeze %dma_start3A_59 : memref<1x128xi32, #tpu.memory_space<vmem>> -> memref<128xi32, #tpu.memory_space<vmem>>
      %dma_start3A_61 = arith.constant 0 : i32
      %dma_start3A_62 = arith.constant 0 : i32
      %dma_start3A_63 = tpu.memref_slice %arg2[%dma_start3A_61, %dma_start3A_62] : memref<10000x128xf32, #tpu.memory_space<hbm>> -> memref<10000x128xf32, #tpu.memory_space<hbm>>
      tpu.enqueue_indirect_dma source(%dma_start3A_63 : memref<10000x128xf32, #tpu.memory_space<hbm>>) target(%dma_start3A_57 : memref<128x128xf32, #tpu.memory_space<vmem>>) offsets(%dma_start3A_60 : memref<128xi32, #tpu.memory_space<vmem>>) semaphore(%arg12 : memref<!tpu.dma_semaphore, #tpu.memory_space<semaphore_mem>>)
      %dma_wait3A = arith.constant 0 : i32
      %dma_wait3A_64 = arith.constant 0 : i32
      %dma_wait3A_65 = arith.constant 0 : i32
      %dma_wait3A_66 = tpu.memref_slice %arg8[%dma_wait3A, %dma_wait3A_64, %dma_wait3A_65] : memref<2x128x128xf32, #tpu.memory_space<vmem>> -> memref<1x128x128xf32, #tpu.memory_space<vmem>>
      %dma_wait3A_67 = tpu.memref_squeeze %dma_wait3A_66 : memref<1x128x128xf32, #tpu.memory_space<vmem>> -> memref<128x128xf32, #tpu.memory_space<vmem>>
      %dma_wait3A_68 = arith.constant 0 : i32
      %dma_wait3A_69 = tpu.memref_slice %arg6[%add3A_50, %dma_wait3A_68] : memref<40x128xi32, #tpu.memory_space<vmem>> -> memref<1x128xi32, #tpu.memory_space<vmem>>
      %dma_wait3A_70 = tpu.memref_squeeze %dma_wait3A_69 : memref<1x128xi32, #tpu.memory_space<vmem>> -> memref<128xi32, #tpu.memory_space<vmem>>
      %dma_wait3A_71 = arith.constant 0 : i32
      %dma_wait3A_72 = arith.constant 0 : i32
      %dma_wait3A_73 = tpu.memref_slice %arg2[%dma_wait3A_71, %dma_wait3A_72] : memref<10000x128xf32, #tpu.memory_space<hbm>> -> memref<10000x128xf32, #tpu.memory_space<hbm>>
      tpu.wait_indirect_dma semaphore(%arg11 : memref<!tpu.dma_semaphore, #tpu.memory_space<semaphore_mem>>) src(%dma_wait3A_73 : memref<10000x128xf32, #tpu.memory_space<hbm>>) dst(%dma_wait3A_67 : memref<128x128xf32, #tpu.memory_space<vmem>>)
      %run_scoped3A = arith.constant 0 : i32
      "tpu.region"() ({
        %run_scoped3A_97 = tpu.sem_alloc : memref<!tpu.dma_semaphore, #tpu.memory_space<semaphore_mem>>
        %dma_start3A_98 = arith.constant 0 : i32
        %dma_start3A_99 = arith.constant 0 : i32
        %dma_start3A_100 = tpu.memref_slice %arg8[%run_scoped3A, %dma_start3A_98, %dma_start3A_99] : memref<2x128x128xf32, #tpu.memory_space<vmem>> -> memref<1x128x128xf32, #tpu.memory_space<vmem>>
        %dma_start3A_101 = tpu.memref_squeeze %dma_start3A_100 : memref<1x128x128xf32, #tpu.memory_space<vmem>> -> memref<128x128xf32, #tpu.memory_space<vmem>>
        %dma_start3A_102 = arith.constant 0 : i32
        %dma_start3A_103 = tpu.memref_slice %arg7[%add3A_50, %dma_start3A_102] : memref<40x128xi32, #tpu.memory_space<vmem>> -> memref<1x128xi32, #tpu.memory_space<vmem>>
        %dma_start3A_104 = tpu.memref_squeeze %dma_start3A_103 : memref<1x128xi32, #tpu.memory_space<vmem>> -> memref<128xi32, #tpu.memory_space<vmem>>
        %dma_start3A_105 = arith.constant 0 : i32
        %dma_start3A_106 = arith.constant 0 : i32
        %dma_start3A_107 = tpu.memref_slice %arg10[%dma_start3A_105, %dma_start3A_106] : memref<10128x128xf32, #tpu.memory_space<vmem_shared>> -> memref<10128x128xf32, #tpu.memory_space<vmem_shared>>
        tpu.enqueue_indirect_dma source(%dma_start3A_101 : memref<128x128xf32, #tpu.memory_space<vmem>>) target(%dma_start3A_107 : memref<10128x128xf32, #tpu.memory_space<vmem_shared>>) offsets(%dma_start3A_104 : memref<128xi32, #tpu.memory_space<vmem>>) semaphore(%run_scoped3A_97 : memref<!tpu.dma_semaphore, #tpu.memory_space<semaphore_mem>>) {add = true}
        %dma_wait3A_108 = arith.constant 0 : i32
        %dma_wait3A_109 = arith.constant 0 : i32
        %dma_wait3A_110 = tpu.memref_slice %arg8[%run_scoped3A, %dma_wait3A_108, %dma_wait3A_109] : memref<2x128x128xf32, #tpu.memory_space<vmem>> -> memref<1x128x128xf32, #tpu.memory_space<vmem>>
        %dma_wait3A_111 = tpu.memref_squeeze %dma_wait3A_110 : memref<1x128x128xf32, #tpu.memory_space<vmem>> -> memref<128x128xf32, #tpu.memory_space<vmem>>
        %dma_wait3A_112 = arith.constant 0 : i32
        %dma_wait3A_113 = tpu.memref_slice %arg7[%add3A_50, %dma_wait3A_112] : memref<40x128xi32, #tpu.memory_space<vmem>> -> memref<1x128xi32, #tpu.memory_space<vmem>>
        %dma_wait3A_114 = tpu.memref_squeeze %dma_wait3A_113 : memref<1x128xi32, #tpu.memory_space<vmem>> -> memref<128xi32, #tpu.memory_space<vmem>>
        %dma_wait3A_115 = arith.constant 0 : i32
        %dma_wait3A_116 = arith.constant 0 : i32
        %dma_wait3A_117 = tpu.memref_slice %arg10[%dma_wait3A_115, %dma_wait3A_116] : memref<10128x128xf32, #tpu.memory_space<vmem_shared>> -> memref<10128x128xf32, #tpu.memory_space<vmem_shared>>
        tpu.wait_indirect_dma semaphore(%run_scoped3A_97 : memref<!tpu.dma_semaphore, #tpu.memory_space<semaphore_mem>>) src(%dma_wait3A_111 : memref<128x128xf32, #tpu.memory_space<vmem>>) dst(%dma_wait3A_117 : memref<10128x128xf32, #tpu.memory_space<vmem_shared>>)
        tpu.yield
      }) : () -> ()
      %add3A_74 = arith.constant 2 : i32
      %add3A_75 = arith.addi %add3A_50, %add3A_74 : i32
      %lt3A_76 = arith.constant 40 : i32
      %lt3A_77 = arith.cmpi slt, %add3A_75, %lt3A_76 : i32
      %convert_element_type3A_78 = arith.extui %lt3A_77 : i1 to i32
      %cond3A_79 = arith.constant 0 : i32
      %cond3A_80 = arith.cmpi ne, %convert_element_type3A_78, %cond3A_79 : i32
      scf.if %cond3A_80 {
        %add3A_97 = arith.constant 2 : i32
        %add3A_98 = arith.addi %add3A_50, %add3A_97 : i32
        %dma_start3A_99 = arith.constant 0 : i32
        %dma_start3A_100 = arith.constant 0 : i32
        %dma_start3A_101 = arith.constant 0 : i32
        %dma_start3A_102 = tpu.memref_slice %arg8[%dma_start3A_99, %dma_start3A_100, %dma_start3A_101] : memref<2x128x128xf32, #tpu.memory_space<vmem>> -> memref<1x128x128xf32, #tpu.memory_space<vmem>>
        %dma_start3A_103 = tpu.memref_squeeze %dma_start3A_102 : memref<1x128x128xf32, #tpu.memory_space<vmem>> -> memref<128x128xf32, #tpu.memory_space<vmem>>
        %dma_start3A_104 = arith.constant 0 : i32
        %dma_start3A_105 = tpu.memref_slice %arg6[%add3A_98, %dma_start3A_104] : memref<40x128xi32, #tpu.memory_space<vmem>> -> memref<1x128xi32, #tpu.memory_space<vmem>>
        %dma_start3A_106 = tpu.memref_squeeze %dma_start3A_105 : memref<1x128xi32, #tpu.memory_space<vmem>> -> memref<128xi32, #tpu.memory_space<vmem>>
        %dma_start3A_107 = arith.constant 0 : i32
        %dma_start3A_108 = arith.constant 0 : i32
        %dma_start3A_109 = tpu.memref_slice %arg2[%dma_start3A_107, %dma_start3A_108] : memref<10000x128xf32, #tpu.memory_space<hbm>> -> memref<10000x128xf32, #tpu.memory_space<hbm>>
        tpu.enqueue_indirect_dma source(%dma_start3A_109 : memref<10000x128xf32, #tpu.memory_space<hbm>>) target(%dma_start3A_103 : memref<128x128xf32, #tpu.memory_space<vmem>>) offsets(%dma_start3A_106 : memref<128xi32, #tpu.memory_space<vmem>>) semaphore(%arg11 : memref<!tpu.dma_semaphore, #tpu.memory_space<semaphore_mem>>)
      } else {
      }
      %add3A_81 = arith.constant 1 : i32
      %add3A_82 = arith.addi %add3A_50, %add3A_81 : i32
      %dma_wait3A_83 = arith.constant 1 : i32
      %dma_wait3A_84 = arith.constant 0 : i32
      %dma_wait3A_85 = arith.constant 0 : i32
      %dma_wait3A_86 = tpu.memref_slice %arg8[%dma_wait3A_83, %dma_wait3A_84, %dma_wait3A_85] : memref<2x128x128xf32, #tpu.memory_space<vmem>> -> memref<1x128x128xf32, #tpu.memory_space<vmem>>
      %dma_wait3A_87 = tpu.memref_squeeze %dma_wait3A_86 : memref<1x128x128xf32, #tpu.memory_space<vmem>> -> memref<128x128xf32, #tpu.memory_space<vmem>>
      %dma_wait3A_88 = arith.constant 0 : i32
      %dma_wait3A_89 = tpu.memref_slice %arg6[%add3A_82, %dma_wait3A_88] : memref<40x128xi32, #tpu.memory_space<vmem>> -> memref<1x128xi32, #tpu.memory_space<vmem>>
      %dma_wait3A_90 = tpu.memref_squeeze %dma_wait3A_89 : memref<1x128xi32, #tpu.memory_space<vmem>> -> memref<128xi32, #tpu.memory_space<vmem>>
      %dma_wait3A_91 = arith.constant 0 : i32
      %dma_wait3A_92 = arith.constant 0 : i32
      %dma_wait3A_93 = tpu.memref_slice %arg2[%dma_wait3A_91, %dma_wait3A_92] : memref<10000x128xf32, #tpu.memory_space<hbm>> -> memref<10000x128xf32, #tpu.memory_space<hbm>>
      tpu.wait_indirect_dma semaphore(%arg12 : memref<!tpu.dma_semaphore, #tpu.memory_space<semaphore_mem>>) src(%dma_wait3A_93 : memref<10000x128xf32, #tpu.memory_space<hbm>>) dst(%dma_wait3A_87 : memref<128x128xf32, #tpu.memory_space<vmem>>)
      %add3A_94 = arith.constant 1 : i32
      %add3A_95 = arith.addi %add3A_50, %add3A_94 : i32
      %run_scoped3A_96 = arith.constant 1 : i32
      "tpu.region"() ({
        %run_scoped3A_97 = tpu.sem_alloc : memref<!tpu.dma_semaphore, #tpu.memory_space<semaphore_mem>>
        %dma_start3A_98 = arith.constant 0 : i32
        %dma_start3A_99 = arith.constant 0 : i32
        %dma_start3A_100 = tpu.memref_slice %arg8[%run_scoped3A_96, %dma_start3A_98, %dma_start3A_99] : memref<2x128x128xf32, #tpu.memory_space<vmem>> -> memref<1x128x128xf32, #tpu.memory_space<vmem>>
        %dma_start3A_101 = tpu.memref_squeeze %dma_start3A_100 : memref<1x128x128xf32, #tpu.memory_space<vmem>> -> memref<128x128xf32, #tpu.memory_space<vmem>>
        %dma_start3A_102 = arith.constant 0 : i32
        %dma_start3A_103 = tpu.memref_slice %arg7[%add3A_95, %dma_start3A_102] : memref<40x128xi32, #tpu.memory_space<vmem>> -> memref<1x128xi32, #tpu.memory_space<vmem>>
        %dma_start3A_104 = tpu.memref_squeeze %dma_start3A_103 : memref<1x128xi32, #tpu.memory_space<vmem>> -> memref<128xi32, #tpu.memory_space<vmem>>
        %dma_start3A_105 = arith.constant 0 : i32
        %dma_start3A_106 = arith.constant 0 : i32
        %dma_start3A_107 = tpu.memref_slice %arg10[%dma_start3A_105, %dma_start3A_106] : memref<10128x128xf32, #tpu.memory_space<vmem_shared>> -> memref<10128x128xf32, #tpu.memory_space<vmem_shared>>
        tpu.enqueue_indirect_dma source(%dma_start3A_101 : memref<128x128xf32, #tpu.memory_space<vmem>>) target(%dma_start3A_107 : memref<10128x128xf32, #tpu.memory_space<vmem_shared>>) offsets(%dma_start3A_104 : memref<128xi32, #tpu.memory_space<vmem>>) semaphore(%run_scoped3A_97 : memref<!tpu.dma_semaphore, #tpu.memory_space<semaphore_mem>>) {add = true}
        %dma_wait3A_108 = arith.constant 0 : i32
        %dma_wait3A_109 = arith.constant 0 : i32
        %dma_wait3A_110 = tpu.memref_slice %arg8[%run_scoped3A_96, %dma_wait3A_108, %dma_wait3A_109] : memref<2x128x128xf32, #tpu.memory_space<vmem>> -> memref<1x128x128xf32, #tpu.memory_space<vmem>>
        %dma_wait3A_111 = tpu.memref_squeeze %dma_wait3A_110 : memref<1x128x128xf32, #tpu.memory_space<vmem>> -> memref<128x128xf32, #tpu.memory_space<vmem>>
        %dma_wait3A_112 = arith.constant 0 : i32
        %dma_wait3A_113 = tpu.memref_slice %arg7[%add3A_95, %dma_wait3A_112] : memref<40x128xi32, #tpu.memory_space<vmem>> -> memref<1x128xi32, #tpu.memory_space<vmem>>
        %dma_wait3A_114 = tpu.memref_squeeze %dma_wait3A_113 : memref<1x128xi32, #tpu.memory_space<vmem>> -> memref<128xi32, #tpu.memory_space<vmem>>
        %dma_wait3A_115 = arith.constant 0 : i32
        %dma_wait3A_116 = arith.constant 0 : i32
        %dma_wait3A_117 = tpu.memref_slice %arg10[%dma_wait3A_115, %dma_wait3A_116] : memref<10128x128xf32, #tpu.memory_space<vmem_shared>> -> memref<10128x128xf32, #tpu.memory_space<vmem_shared>>
        tpu.wait_indirect_dma semaphore(%run_scoped3A_97 : memref<!tpu.dma_semaphore, #tpu.memory_space<semaphore_mem>>) src(%dma_wait3A_111 : memref<128x128xf32, #tpu.memory_space<vmem>>) dst(%dma_wait3A_117 : memref<10128x128xf32, #tpu.memory_space<vmem_shared>>)
        tpu.yield
      }) : () -> ()
    }
    %scan3A_42 = arith.constant 20 : i32
    %barrier3A_43 = arith.constant 0 : index
    tpu.barrier barrier_id(%barrier3A_43)
    %lt3A = arith.constant 10 : i32
    %lt3A_44 = arith.cmpi slt, %arg1, %lt3A : i32
    %convert_element_type3A = arith.extui %lt3A_44 : i1 to i32
    %cond3A = arith.constant 0 : i32
    %cond3A_45 = arith.cmpi ne, %convert_element_type3A, %cond3A : i32
    scf.if %cond3A_45 {
      %mul3A_46 = arith.constant 1000 : i32
      %mul3A_47 = arith.muli %arg1, %mul3A_46 : i32
      %mul3A_48 = arith.constant 1000 : i32
      %mul3A_49 = arith.muli %arg1, %mul3A_48 : i32
      "tpu.region"() ({
        %run_scoped3A = tpu.sem_alloc : memref<!tpu.dma_semaphore, #tpu.memory_space<semaphore_mem>>
        %dma_start3A_50 = arith.constant 0 : i32
        %dma_start3A_51 = tpu.memref_slice %arg5[%arg0, %mul3A_49, %dma_start3A_50] : memref<2x10000x128xf32, #tpu.memory_space<hbm>> -> memref<1x1000x128xf32, #tpu.memory_space<hbm>>
        %dma_start3A_52 = tpu.memref_squeeze %dma_start3A_51 : memref<1x1000x128xf32, #tpu.memory_space<hbm>> -> memref<1000x128xf32, #tpu.memory_space<hbm>>
        %dma_start3A_53 = arith.constant 0 : i32
        %dma_start3A_54 = tpu.memref_slice %arg10[%mul3A_47, %dma_start3A_53] : memref<10128x128xf32, #tpu.memory_space<vmem_shared>> -> memref<1000x128xf32, #tpu.memory_space<vmem_shared>>
        tpu.enqueue_dma source(%dma_start3A_54 : memref<1000x128xf32, #tpu.memory_space<vmem_shared>>) target(%dma_start3A_52 : memref<1000x128xf32, #tpu.memory_space<hbm>>) target_semaphore(%run_scoped3A : memref<!tpu.dma_semaphore, #tpu.memory_space<semaphore_mem>>)
        %dma_wait3A = arith.constant 0 : i32
        %dma_wait3A_55 = tpu.memref_slice %arg5[%arg0, %mul3A_49, %dma_wait3A] : memref<2x10000x128xf32, #tpu.memory_space<hbm>> -> memref<1x1000x128xf32, #tpu.memory_space<hbm>>
        %dma_wait3A_56 = tpu.memref_squeeze %dma_wait3A_55 : memref<1x1000x128xf32, #tpu.memory_space<hbm>> -> memref<1000x128xf32, #tpu.memory_space<hbm>>
        %dma_wait3A_57 = arith.constant 0 : i32
        %dma_wait3A_58 = tpu.memref_slice %arg10[%mul3A_47, %dma_wait3A_57] : memref<10128x128xf32, #tpu.memory_space<vmem_shared>> -> memref<1000x128xf32, #tpu.memory_space<vmem_shared>>
        tpu.wait_dma2 semaphore(%run_scoped3A : memref<!tpu.dma_semaphore, #tpu.memory_space<semaphore_mem>>) src(%dma_wait3A_58 : memref<1000x128xf32, #tpu.memory_space<vmem_shared>>) dst(%dma_wait3A_56 : memref<1000x128xf32, #tpu.memory_space<hbm>>)
        tpu.yield
      }) : () -> ()
    } else {
    }
    return
  }
}

#map = affine_map<(d0, d1) -> (0, 0)>
#map1 = affine_map<(d0, d1) -> (0, 0, 0)>
module attributes {stable_mosaic.version = 14 : i64} {
  func.func @agg(%arg0: i32, %arg1: i32, %arg2: memref<10000x128xf32, #tpu.memory_space<hbm>>, %arg3: memref<32x80x128xi32, #tpu.memory_space<hbm>>, %arg4: memref<32x80x128xi32, #tpu.memory_space<hbm>>, %arg5: memref<2x10000x128xf32, #tpu.memory_space<hbm>>, %arg6: memref<40x128xi32, #tpu.memory_space<vmem>>, %arg7: memref<40x128xi32, #tpu.memory_space<vmem>>, %arg8: memref<2x128x128xf32, #tpu.memory_space<vmem>>, %arg9: memref<40x128xf32, #tpu.memory_space<vmem>>, %arg10: memref<10128x128xf32, #tpu.memory_space<vmem_shared>>, %arg11: memref<!tpu.dma_semaphore, #tpu.memory_space<semaphore_mem>>, %arg12: memref<!tpu.dma_semaphore, #tpu.memory_space<semaphore_mem>>, %arg13: memref<!tpu.dma_semaphore, #tpu.memory_space<semaphore_mem>>, %arg14: memref<!tpu.dma_semaphore, #tpu.memory_space<semaphore_mem>>) attributes {dimension_semantics = [#tpu.dimension_semantics<core_parallel>, #tpu.dimension_semantics<subcore_parallel>], iteration_bounds = array<i64: 2, 16>, scalar_prefetch = 0 : i64, scratch_operands = 9 : i64, tpu.core_type = #tpu.core_type<sc_vector_subcore>, window_params = [{transform_indices = #map}, {transform_indices = #map1}, {transform_indices = #map1}, {transform_indices = #map1}]} {
    %mul3A = arith.constant 16 : i32
    %mul3A_0 = arith.muli %arg0, %mul3A : i32
    %add3A = arith.addi %mul3A_0, %arg1 : i32
    "tpu.region"() ({
      %run_scoped3A = tpu.sem_alloc : memref<!tpu.dma_semaphore, #tpu.memory_space<semaphore_mem>>
      %dma_start3A_46 = arith.constant 0 : i32
      %dma_start3A_47 = arith.constant 0 : i32
      %dma_start3A_48 = tpu.memref_slice %arg3[%add3A, %dma_start3A_46, %dma_start3A_47] : memref<32x80x128xi32, #tpu.memory_space<hbm>> -> memref<1x40x128xi32, #tpu.memory_space<hbm>>
      %dma_start3A_49 = tpu.memref_squeeze %dma_start3A_48 : memref<1x40x128xi32, #tpu.memory_space<hbm>> -> memref<40x128xi32, #tpu.memory_space<hbm>>
      %dma_start3A_50 = arith.constant 0 : i32
      %dma_start3A_51 = arith.constant 0 : i32
      %dma_start3A_52 = tpu.memref_slice %arg3[%add3A, %dma_start3A_50, %dma_start3A_51] : memref<32x80x128xi32, #tpu.memory_space<hbm>> -> memref<1x40x128xi32, #tpu.memory_space<hbm>>
      %dma_start3A_53 = tpu.memref_squeeze %dma_start3A_52 : memref<1x40x128xi32, #tpu.memory_space<hbm>> -> memref<40x128xi32, #tpu.memory_space<hbm>>
      tpu.enqueue_dma source(%dma_start3A_53 : memref<40x128xi32, #tpu.memory_space<hbm>>) target(%arg6 : memref<40x128xi32, #tpu.memory_space<vmem>>) target_semaphore(%run_scoped3A : memref<!tpu.dma_semaphore, #tpu.memory_space<semaphore_mem>>)
      %dma_wait3A = arith.constant 0 : i32
      %dma_wait3A_54 = arith.constant 0 : i32
      %dma_wait3A_55 = tpu.memref_slice %arg3[%add3A, %dma_wait3A, %dma_wait3A_54] : memref<32x80x128xi32, #tpu.memory_space<hbm>> -> memref<1x40x128xi32, #tpu.memory_space<hbm>>
      %dma_wait3A_56 = tpu.memref_squeeze %dma_wait3A_55 : memref<1x40x128xi32, #tpu.memory_space<hbm>> -> memref<40x128xi32, #tpu.memory_space<hbm>>
      %dma_wait3A_57 = arith.constant 0 : i32
      %dma_wait3A_58 = arith.constant 0 : i32
      %dma_wait3A_59 = tpu.memref_slice %arg3[%add3A, %dma_wait3A_57, %dma_wait3A_58] : memref<32x80x128xi32, #tpu.memory_space<hbm>> -> memref<1x40x128xi32, #tpu.memory_space<hbm>>
      %dma_wait3A_60 = tpu.memref_squeeze %dma_wait3A_59 : memref<1x40x128xi32, #tpu.memory_space<hbm>> -> memref<40x128xi32, #tpu.memory_space<hbm>>
      tpu.wait_dma2 semaphore(%run_scoped3A : memref<!tpu.dma_semaphore, #tpu.memory_space<semaphore_mem>>) src(%dma_wait3A_60 : memref<40x128xi32, #tpu.memory_space<hbm>>) dst(%arg6 : memref<40x128xi32, #tpu.memory_space<vmem>>)
      tpu.yield
    }) : () -> ()
    "tpu.region"() ({
      %run_scoped3A = tpu.sem_alloc : memref<!tpu.dma_semaphore, #tpu.memory_space<semaphore_mem>>
      %dma_start3A_46 = arith.constant 0 : i32
      %dma_start3A_47 = arith.constant 0 : i32
      %dma_start3A_48 = tpu.memref_slice %arg4[%add3A, %dma_start3A_46, %dma_start3A_47] : memref<32x80x128xi32, #tpu.memory_space<hbm>> -> memref<1x40x128xi32, #tpu.memory_space<hbm>>
      %dma_start3A_49 = tpu.memref_squeeze %dma_start3A_48 : memref<1x40x128xi32, #tpu.memory_space<hbm>> -> memref<40x128xi32, #tpu.memory_space<hbm>>
      %dma_start3A_50 = arith.constant 0 : i32
      %dma_start3A_51 = arith.constant 0 : i32
      %dma_start3A_52 = tpu.memref_slice %arg4[%add3A, %dma_start3A_50, %dma_start3A_51] : memref<32x80x128xi32, #tpu.memory_space<hbm>> -> memref<1x40x128xi32, #tpu.memory_space<hbm>>
      %dma_start3A_53 = tpu.memref_squeeze %dma_start3A_52 : memref<1x40x128xi32, #tpu.memory_space<hbm>> -> memref<40x128xi32, #tpu.memory_space<hbm>>
      tpu.enqueue_dma source(%dma_start3A_53 : memref<40x128xi32, #tpu.memory_space<hbm>>) target(%arg7 : memref<40x128xi32, #tpu.memory_space<vmem>>) target_semaphore(%run_scoped3A : memref<!tpu.dma_semaphore, #tpu.memory_space<semaphore_mem>>)
      %dma_wait3A = arith.constant 0 : i32
      %dma_wait3A_54 = arith.constant 0 : i32
      %dma_wait3A_55 = tpu.memref_slice %arg4[%add3A, %dma_wait3A, %dma_wait3A_54] : memref<32x80x128xi32, #tpu.memory_space<hbm>> -> memref<1x40x128xi32, #tpu.memory_space<hbm>>
      %dma_wait3A_56 = tpu.memref_squeeze %dma_wait3A_55 : memref<1x40x128xi32, #tpu.memory_space<hbm>> -> memref<40x128xi32, #tpu.memory_space<hbm>>
      %dma_wait3A_57 = arith.constant 0 : i32
      %dma_wait3A_58 = arith.constant 0 : i32
      %dma_wait3A_59 = tpu.memref_slice %arg4[%add3A, %dma_wait3A_57, %dma_wait3A_58] : memref<32x80x128xi32, #tpu.memory_space<hbm>> -> memref<1x40x128xi32, #tpu.memory_space<hbm>>
      %dma_wait3A_60 = tpu.memref_squeeze %dma_wait3A_59 : memref<1x40x128xi32, #tpu.memory_space<hbm>> -> memref<40x128xi32, #tpu.memory_space<hbm>>
      tpu.wait_dma2 semaphore(%run_scoped3A : memref<!tpu.dma_semaphore, #tpu.memory_space<semaphore_mem>>) src(%dma_wait3A_60 : memref<40x128xi32, #tpu.memory_space<hbm>>) dst(%arg7 : memref<40x128xi32, #tpu.memory_space<vmem>>)
      tpu.yield
    }) : () -> ()
    %dma_start3A = arith.constant 0 : i32
    %dma_start3A_1 = arith.constant 0 : i32
    %dma_start3A_2 = arith.constant 0 : i32
    %dma_start3A_3 = arith.constant 0 : i32
    %dma_start3A_4 = tpu.memref_slice %arg8[%dma_start3A_1, %dma_start3A_2, %dma_start3A_3] : memref<2x128x128xf32, #tpu.memory_space<vmem>> -> memref<1x128x128xf32, #tpu.memory_space<vmem>>
    %dma_start3A_5 = tpu.memref_squeeze %dma_start3A_4 : memref<1x128x128xf32, #tpu.memory_space<vmem>> -> memref<128x128xf32, #tpu.memory_space<vmem>>
    %dma_start3A_6 = arith.constant 0 : i32
    %dma_start3A_7 = tpu.memref_slice %arg6[%dma_start3A, %dma_start3A_6] : memref<40x128xi32, #tpu.memory_space<vmem>> -> memref<1x128xi32, #tpu.memory_space<vmem>>
    %dma_start3A_8 = tpu.memref_squeeze %dma_start3A_7 : memref<1x128xi32, #tpu.memory_space<vmem>> -> memref<128xi32, #tpu.memory_space<vmem>>
    %dma_start3A_9 = arith.constant 0 : i32
    %dma_start3A_10 = arith.constant 0 : i32
    %dma_start3A_11 = tpu.memref_slice %arg2[%dma_start3A_9, %dma_start3A_10] : memref<10000x128xf32, #tpu.memory_space<hbm>> -> memref<10000x128xf32, #tpu.memory_space<hbm>>
    tpu.enqueue_indirect_dma source(%dma_start3A_11 : memref<10000x128xf32, #tpu.memory_space<hbm>>) target(%dma_start3A_5 : memref<128x128xf32, #tpu.memory_space<vmem>>) offsets(%dma_start3A_8 : memref<128xi32, #tpu.memory_space<vmem>>) semaphore(%arg11 : memref<!tpu.dma_semaphore, #tpu.memory_space<semaphore_mem>>)
    %scan3A = arith.constant 0 : i32
    %scan3A_12 = arith.constant 40 : i32
    %scan3A_13 = arith.addi %scan3A, %scan3A_12 : i32
    %scan3A_14 = arith.constant 1 : i32
    scf.for %scan3A_46 = %scan3A to %scan3A_13 step %scan3A_14  : i32 {
      %mul3A_47 = arith.constant 1 : i32
      %mul3A_48 = arith.muli %scan3A_46, %mul3A_47 : i32
      %add3A_49 = arith.constant 0 : i32
      %add3A_50 = arith.addi %add3A_49, %mul3A_48 : i32
      %scan3A_51 = arith.constant 0 : i32
      %scan3A_52 = arith.constant 8 : i32
      %scan3A_53 = arith.addi %scan3A_51, %scan3A_52 : i32
      %scan3A_54 = arith.constant 1 : i32
      scf.for %scan3A_56 = %scan3A_51 to %scan3A_53 step %scan3A_54  : i32 {
        %mul3A_57 = arith.constant 16 : i32
        %mul3A_58 = arith.muli %scan3A_56, %mul3A_57 : i32
        %add3A_59 = arith.constant 0 : i32
        %add3A_60 = arith.addi %add3A_59, %mul3A_58 : i32
        %broadcast_in_dim3A = arith.constant 0.000000e+00 : f32
        %broadcast_in_dim3A_61 = vector.broadcast %broadcast_in_dim3A : f32 to vector<16xf32>
        %swap3A = arith.index_cast %add3A_50 : i32 to index
        %swap3A_62 = arith.index_cast %add3A_60 : i32 to index
        %swap3A_63 = tpu.vector_load %arg9[%swap3A, %swap3A_62] {strides = array<i32>} : memref<40x128xf32, #tpu.memory_space<vmem>>, vector<1x16xf32>,
        %swap3A_64 = vector.shape_cast %swap3A_63 : vector<1x16xf32> to vector<16xf32>
        %swap3A_65 = vector.shape_cast %broadcast_in_dim3A_61 : vector<16xf32> to vector<1x16xf32>
        tpu.vector_store %arg9[%swap3A, %swap3A_62], %swap3A_65 {strides = array<i32>} : memref<40x128xf32, #tpu.memory_space<vmem>>, vector<1x16xf32>,
      }
      %scan3A_55 = arith.constant 8 : i32
    }
    %scan3A_15 = arith.constant 40 : i32
    %scan3A_16 = arith.constant 0 : i32
    %scan3A_17 = arith.constant 16 : i32
    %scan3A_18 = arith.addi %scan3A_16, %scan3A_17 : i32
    %scan3A_19 = arith.constant 1 : i32
    scf.for %scan3A_46 = %scan3A_16 to %scan3A_18 step %scan3A_19  : i32 {
      %mul3A_47 = arith.constant 1 : i32
      %mul3A_48 = arith.muli %scan3A_46, %mul3A_47 : i32
      %add3A_49 = arith.constant 0 : i32
      %add3A_50 = arith.addi %add3A_49, %mul3A_48 : i32
      %mul3A_51 = arith.constant 16 : i32
      %mul3A_52 = arith.muli %add3A_50, %mul3A_51 : i32
      %add3A_53 = arith.addi %mul3A_52, %arg1 : i32
      %lt3A_54 = arith.constant 250 : i32
      %lt3A_55 = arith.cmpi slt, %add3A_53, %lt3A_54 : i32
      %convert_element_type3A_56 = arith.extui %lt3A_55 : i1 to i32
      %cond3A_57 = arith.constant 0 : i32
      %cond3A_58 = arith.cmpi ne, %convert_element_type3A_56, %cond3A_57 : i32
      scf.if %cond3A_58 {
        %mul3A_59 = arith.constant 40 : i32
        %mul3A_60 = arith.muli %add3A_53, %mul3A_59 : i32
        "tpu.region"() ({
          %run_scoped3A = tpu.sem_alloc : memref<!tpu.dma_semaphore, #tpu.memory_space<semaphore_mem>>
          %dma_start3A_61 = arith.constant 0 : i32
          %dma_start3A_62 = tpu.memref_slice %arg10[%mul3A_60, %dma_start3A_61] : memref<10128x128xf32, #tpu.memory_space<vmem_shared>> -> memref<40x128xf32, #tpu.memory_space<vmem_shared>>
          %dma_start3A_63 = arith.constant 0 : i32
          %dma_start3A_64 = tpu.memref_slice %arg10[%mul3A_60, %dma_start3A_63] : memref<10128x128xf32, #tpu.memory_space<vmem_shared>> -> memref<40x128xf32, #tpu.memory_space<vmem_shared>>
          tpu.enqueue_dma source(%arg9 : memref<40x128xf32, #tpu.memory_space<vmem>>) target(%dma_start3A_64 : memref<40x128xf32, #tpu.memory_space<vmem_shared>>) target_semaphore(%run_scoped3A : memref<!tpu.dma_semaphore, #tpu.memory_space<semaphore_mem>>)
          %dma_wait3A = arith.constant 0 : i32
          %dma_wait3A_65 = tpu.memref_slice %arg10[%mul3A_60, %dma_wait3A] : memref<10128x128xf32, #tpu.memory_space<vmem_shared>> -> memref<40x128xf32, #tpu.memory_space<vmem_shared>>
          %dma_wait3A_66 = arith.constant 0 : i32
          %dma_wait3A_67 = tpu.memref_slice %arg10[%mul3A_60, %dma_wait3A_66] : memref<10128x128xf32, #tpu.memory_space<vmem_shared>> -> memref<40x128xf32, #tpu.memory_space<vmem_shared>>
          tpu.wait_dma2 semaphore(%run_scoped3A : memref<!tpu.dma_semaphore, #tpu.memory_space<semaphore_mem>>) src(%arg9 : memref<40x128xf32, #tpu.memory_space<vmem>>) dst(%dma_wait3A_67 : memref<40x128xf32, #tpu.memory_space<vmem_shared>>)
          tpu.yield
        }) : () -> ()
      } else {
      }
    }
    %scan3A_20 = arith.constant 16 : i32
    %barrier3A = arith.constant 0 : index
    tpu.barrier barrier_id(%barrier3A)
    %scan3A_21 = arith.constant 0 : i32
    %scan3A_22 = arith.constant 20 : i32
    %scan3A_23 = arith.addi %scan3A_21, %scan3A_22 : i32
    %scan3A_24 = arith.constant 1 : i32
    scf.for %scan3A_46 = %scan3A_21 to %scan3A_23 step %scan3A_24  : i32 {
      %mul3A_47 = arith.constant 2 : i32
      %mul3A_48 = arith.muli %scan3A_46, %mul3A_47 : i32
      %add3A_49 = arith.constant 0 : i32
      %add3A_50 = arith.addi %add3A_49, %mul3A_48 : i32
      %add3A_51 = arith.constant 1 : i32
      %add3A_52 = arith.addi %add3A_50, %add3A_51 : i32
      %dma_start3A_53 = arith.constant 1 : i32
      %dma_start3A_54 = arith.constant 0 : i32
      %dma_start3A_55 = arith.constant 0 : i32
      %dma_start3A_56 = tpu.memref_slice %arg8[%dma_start3A_53, %dma_start3A_54, %dma_start3A_55] : memref<2x128x128xf32, #tpu.memory_space<vmem>> -> memref<1x128x128xf32, #tpu.memory_space<vmem>>
      %dma_start3A_57 = tpu.memref_squeeze %dma_start3A_56 : memref<1x128x128xf32, #tpu.memory_space<vmem>> -> memref<128x128xf32, #tpu.memory_space<vmem>>
      %dma_start3A_58 = arith.constant 0 : i32
      %dma_start3A_59 = tpu.memref_slice %arg6[%add3A_52, %dma_start3A_58] : memref<40x128xi32, #tpu.memory_space<vmem>> -> memref<1x128xi32, #tpu.memory_space<vmem>>
      %dma_start3A_60 = tpu.memref_squeeze %dma_start3A_59 : memref<1x128xi32, #tpu.memory_space<vmem>> -> memref<128xi32, #tpu.memory_space<vmem>>
      %dma_start3A_61 = arith.constant 0 : i32
      %dma_start3A_62 = arith.constant 0 : i32
      %dma_start3A_63 = tpu.memref_slice %arg2[%dma_start3A_61, %dma_start3A_62] : memref<10000x128xf32, #tpu.memory_space<hbm>> -> memref<10000x128xf32, #tpu.memory_space<hbm>>
      tpu.enqueue_indirect_dma source(%dma_start3A_63 : memref<10000x128xf32, #tpu.memory_space<hbm>>) target(%dma_start3A_57 : memref<128x128xf32, #tpu.memory_space<vmem>>) offsets(%dma_start3A_60 : memref<128xi32, #tpu.memory_space<vmem>>) semaphore(%arg12 : memref<!tpu.dma_semaphore, #tpu.memory_space<semaphore_mem>>)
      %dma_wait3A = arith.constant 0 : i32
      %dma_wait3A_64 = arith.constant 0 : i32
      %dma_wait3A_65 = arith.constant 0 : i32
      %dma_wait3A_66 = tpu.memref_slice %arg8[%dma_wait3A, %dma_wait3A_64, %dma_wait3A_65] : memref<2x128x128xf32, #tpu.memory_space<vmem>> -> memref<1x128x128xf32, #tpu.memory_space<vmem>>
      %dma_wait3A_67 = tpu.memref_squeeze %dma_wait3A_66 : memref<1x128x128xf32, #tpu.memory_space<vmem>> -> memref<128x128xf32, #tpu.memory_space<vmem>>
      %dma_wait3A_68 = arith.constant 0 : i32
      %dma_wait3A_69 = tpu.memref_slice %arg6[%add3A_50, %dma_wait3A_68] : memref<40x128xi32, #tpu.memory_space<vmem>> -> memref<1x128xi32, #tpu.memory_space<vmem>>
      %dma_wait3A_70 = tpu.memref_squeeze %dma_wait3A_69 : memref<1x128xi32, #tpu.memory_space<vmem>> -> memref<128xi32, #tpu.memory_space<vmem>>
      %dma_wait3A_71 = arith.constant 0 : i32
      %dma_wait3A_72 = arith.constant 0 : i32
      %dma_wait3A_73 = tpu.memref_slice %arg2[%dma_wait3A_71, %dma_wait3A_72] : memref<10000x128xf32, #tpu.memory_space<hbm>> -> memref<10000x128xf32, #tpu.memory_space<hbm>>
      tpu.wait_indirect_dma semaphore(%arg11 : memref<!tpu.dma_semaphore, #tpu.memory_space<semaphore_mem>>) src(%dma_wait3A_73 : memref<10000x128xf32, #tpu.memory_space<hbm>>) dst(%dma_wait3A_67 : memref<128x128xf32, #tpu.memory_space<vmem>>)
      %run_scoped3A = arith.constant 0 : i32
      "tpu.region"() ({
        %run_scoped3A_97 = tpu.sem_alloc : memref<!tpu.dma_semaphore, #tpu.memory_space<semaphore_mem>>
        %dma_start3A_98 = arith.constant 0 : i32
        %dma_start3A_99 = arith.constant 0 : i32
        %dma_start3A_100 = tpu.memref_slice %arg8[%run_scoped3A, %dma_start3A_98, %dma_start3A_99] : memref<2x128x128xf32, #tpu.memory_space<vmem>> -> memref<1x128x128xf32, #tpu.memory_space<vmem>>
        %dma_start3A_101 = tpu.memref_squeeze %dma_start3A_100 : memref<1x128x128xf32, #tpu.memory_space<vmem>> -> memref<128x128xf32, #tpu.memory_space<vmem>>
        %dma_start3A_102 = arith.constant 0 : i32
        %dma_start3A_103 = tpu.memref_slice %arg7[%add3A_50, %dma_start3A_102] : memref<40x128xi32, #tpu.memory_space<vmem>> -> memref<1x128xi32, #tpu.memory_space<vmem>>
        %dma_start3A_104 = tpu.memref_squeeze %dma_start3A_103 : memref<1x128xi32, #tpu.memory_space<vmem>> -> memref<128xi32, #tpu.memory_space<vmem>>
        %dma_start3A_105 = arith.constant 0 : i32
        %dma_start3A_106 = arith.constant 0 : i32
        %dma_start3A_107 = tpu.memref_slice %arg10[%dma_start3A_105, %dma_start3A_106] : memref<10128x128xf32, #tpu.memory_space<vmem_shared>> -> memref<10128x128xf32, #tpu.memory_space<vmem_shared>>
        tpu.enqueue_indirect_dma source(%dma_start3A_101 : memref<128x128xf32, #tpu.memory_space<vmem>>) target(%dma_start3A_107 : memref<10128x128xf32, #tpu.memory_space<vmem_shared>>) offsets(%dma_start3A_104 : memref<128xi32, #tpu.memory_space<vmem>>) semaphore(%run_scoped3A_97 : memref<!tpu.dma_semaphore, #tpu.memory_space<semaphore_mem>>) {add = true}
        %dma_wait3A_108 = arith.constant 0 : i32
        %dma_wait3A_109 = arith.constant 0 : i32
        %dma_wait3A_110 = tpu.memref_slice %arg8[%run_scoped3A, %dma_wait3A_108, %dma_wait3A_109] : memref<2x128x128xf32, #tpu.memory_space<vmem>> -> memref<1x128x128xf32, #tpu.memory_space<vmem>>
        %dma_wait3A_111 = tpu.memref_squeeze %dma_wait3A_110 : memref<1x128x128xf32, #tpu.memory_space<vmem>> -> memref<128x128xf32, #tpu.memory_space<vmem>>
        %dma_wait3A_112 = arith.constant 0 : i32
        %dma_wait3A_113 = tpu.memref_slice %arg7[%add3A_50, %dma_wait3A_112] : memref<40x128xi32, #tpu.memory_space<vmem>> -> memref<1x128xi32, #tpu.memory_space<vmem>>
        %dma_wait3A_114 = tpu.memref_squeeze %dma_wait3A_113 : memref<1x128xi32, #tpu.memory_space<vmem>> -> memref<128xi32, #tpu.memory_space<vmem>>
        %dma_wait3A_115 = arith.constant 0 : i32
        %dma_wait3A_116 = arith.constant 0 : i32
        %dma_wait3A_117 = tpu.memref_slice %arg10[%dma_wait3A_115, %dma_wait3A_116] : memref<10128x128xf32, #tpu.memory_space<vmem_shared>> -> memref<10128x128xf32, #tpu.memory_space<vmem_shared>>
        tpu.wait_indirect_dma semaphore(%run_scoped3A_97 : memref<!tpu.dma_semaphore, #tpu.memory_space<semaphore_mem>>) src(%dma_wait3A_111 : memref<128x128xf32, #tpu.memory_space<vmem>>) dst(%dma_wait3A_117 : memref<10128x128xf32, #tpu.memory_space<vmem_shared>>)
        tpu.yield
      }) : () -> ()
      %add3A_74 = arith.constant 2 : i32
      %add3A_75 = arith.addi %add3A_50, %add3A_74 : i32
      %lt3A_76 = arith.constant 40 : i32
      %lt3A_77 = arith.cmpi slt, %add3A_75, %lt3A_76 : i32
      %convert_element_type3A_78 = arith.extui %lt3A_77 : i1 to i32
      %cond3A_79 = arith.constant 0 : i32
      %cond3A_80 = arith.cmpi ne, %convert_element_type3A_78, %cond3A_79 : i32
      scf.if %cond3A_80 {
        %add3A_97 = arith.constant 2 : i32
        %add3A_98 = arith.addi %add3A_50, %add3A_97 : i32
        %dma_start3A_99 = arith.constant 0 : i32
        %dma_start3A_100 = arith.constant 0 : i32
        %dma_start3A_101 = arith.constant 0 : i32
        %dma_start3A_102 = tpu.memref_slice %arg8[%dma_start3A_99, %dma_start3A_100, %dma_start3A_101] : memref<2x128x128xf32, #tpu.memory_space<vmem>> -> memref<1x128x128xf32, #tpu.memory_space<vmem>>
        %dma_start3A_103 = tpu.memref_squeeze %dma_start3A_102 : memref<1x128x128xf32, #tpu.memory_space<vmem>> -> memref<128x128xf32, #tpu.memory_space<vmem>>
        %dma_start3A_104 = arith.constant 0 : i32
        %dma_start3A_105 = tpu.memref_slice %arg6[%add3A_98, %dma_start3A_104] : memref<40x128xi32, #tpu.memory_space<vmem>> -> memref<1x128xi32, #tpu.memory_space<vmem>>
        %dma_start3A_106 = tpu.memref_squeeze %dma_start3A_105 : memref<1x128xi32, #tpu.memory_space<vmem>> -> memref<128xi32, #tpu.memory_space<vmem>>
        %dma_start3A_107 = arith.constant 0 : i32
        %dma_start3A_108 = arith.constant 0 : i32
        %dma_start3A_109 = tpu.memref_slice %arg2[%dma_start3A_107, %dma_start3A_108] : memref<10000x128xf32, #tpu.memory_space<hbm>> -> memref<10000x128xf32, #tpu.memory_space<hbm>>
        tpu.enqueue_indirect_dma source(%dma_start3A_109 : memref<10000x128xf32, #tpu.memory_space<hbm>>) target(%dma_start3A_103 : memref<128x128xf32, #tpu.memory_space<vmem>>) offsets(%dma_start3A_106 : memref<128xi32, #tpu.memory_space<vmem>>) semaphore(%arg11 : memref<!tpu.dma_semaphore, #tpu.memory_space<semaphore_mem>>)
      } else {
      }
      %add3A_81 = arith.constant 1 : i32
      %add3A_82 = arith.addi %add3A_50, %add3A_81 : i32
      %dma_wait3A_83 = arith.constant 1 : i32
      %dma_wait3A_84 = arith.constant 0 : i32
      %dma_wait3A_85 = arith.constant 0 : i32
      %dma_wait3A_86 = tpu.memref_slice %arg8[%dma_wait3A_83, %dma_wait3A_84, %dma_wait3A_85] : memref<2x128x128xf32, #tpu.memory_space<vmem>> -> memref<1x128x128xf32, #tpu.memory_space<vmem>>
      %dma_wait3A_87 = tpu.memref_squeeze %dma_wait3A_86 : memref<1x128x128xf32, #tpu.memory_space<vmem>> -> memref<128x128xf32, #tpu.memory_space<vmem>>
      %dma_wait3A_88 = arith.constant 0 : i32
      %dma_wait3A_89 = tpu.memref_slice %arg6[%add3A_82, %dma_wait3A_88] : memref<40x128xi32, #tpu.memory_space<vmem>> -> memref<1x128xi32, #tpu.memory_space<vmem>>
      %dma_wait3A_90 = tpu.memref_squeeze %dma_wait3A_89 : memref<1x128xi32, #tpu.memory_space<vmem>> -> memref<128xi32, #tpu.memory_space<vmem>>
      %dma_wait3A_91 = arith.constant 0 : i32
      %dma_wait3A_92 = arith.constant 0 : i32
      %dma_wait3A_93 = tpu.memref_slice %arg2[%dma_wait3A_91, %dma_wait3A_92] : memref<10000x128xf32, #tpu.memory_space<hbm>> -> memref<10000x128xf32, #tpu.memory_space<hbm>>
      tpu.wait_indirect_dma semaphore(%arg12 : memref<!tpu.dma_semaphore, #tpu.memory_space<semaphore_mem>>) src(%dma_wait3A_93 : memref<10000x128xf32, #tpu.memory_space<hbm>>) dst(%dma_wait3A_87 : memref<128x128xf32, #tpu.memory_space<vmem>>)
      %add3A_94 = arith.constant 1 : i32
      %add3A_95 = arith.addi %add3A_50, %add3A_94 : i32
      %run_scoped3A_96 = arith.constant 1 : i32
      "tpu.region"() ({
        %run_scoped3A_97 = tpu.sem_alloc : memref<!tpu.dma_semaphore, #tpu.memory_space<semaphore_mem>>
        %dma_start3A_98 = arith.constant 0 : i32
        %dma_start3A_99 = arith.constant 0 : i32
        %dma_start3A_100 = tpu.memref_slice %arg8[%run_scoped3A_96, %dma_start3A_98, %dma_start3A_99] : memref<2x128x128xf32, #tpu.memory_space<vmem>> -> memref<1x128x128xf32, #tpu.memory_space<vmem>>
        %dma_start3A_101 = tpu.memref_squeeze %dma_start3A_100 : memref<1x128x128xf32, #tpu.memory_space<vmem>> -> memref<128x128xf32, #tpu.memory_space<vmem>>
        %dma_start3A_102 = arith.constant 0 : i32
        %dma_start3A_103 = tpu.memref_slice %arg7[%add3A_95, %dma_start3A_102] : memref<40x128xi32, #tpu.memory_space<vmem>> -> memref<1x128xi32, #tpu.memory_space<vmem>>
        %dma_start3A_104 = tpu.memref_squeeze %dma_start3A_103 : memref<1x128xi32, #tpu.memory_space<vmem>> -> memref<128xi32, #tpu.memory_space<vmem>>
        %dma_start3A_105 = arith.constant 0 : i32
        %dma_start3A_106 = arith.constant 0 : i32
        %dma_start3A_107 = tpu.memref_slice %arg10[%dma_start3A_105, %dma_start3A_106] : memref<10128x128xf32, #tpu.memory_space<vmem_shared>> -> memref<10128x128xf32, #tpu.memory_space<vmem_shared>>
        tpu.enqueue_indirect_dma source(%dma_start3A_101 : memref<128x128xf32, #tpu.memory_space<vmem>>) target(%dma_start3A_107 : memref<10128x128xf32, #tpu.memory_space<vmem_shared>>) offsets(%dma_start3A_104 : memref<128xi32, #tpu.memory_space<vmem>>) semaphore(%run_scoped3A_97 : memref<!tpu.dma_semaphore, #tpu.memory_space<semaphore_mem>>) {add = true}
        %dma_wait3A_108 = arith.constant 0 : i32
        %dma_wait3A_109 = arith.constant 0 : i32
        %dma_wait3A_110 = tpu.memref_slice %arg8[%run_scoped3A_96, %dma_wait3A_108, %dma_wait3A_109] : memref<2x128x128xf32, #tpu.memory_space<vmem>> -> memref<1x128x128xf32, #tpu.memory_space<vmem>>
        %dma_wait3A_111 = tpu.memref_squeeze %dma_wait3A_110 : memref<1x128x128xf32, #tpu.memory_space<vmem>> -> memref<128x128xf32, #tpu.memory_space<vmem>>
        %dma_wait3A_112 = arith.constant 0 : i32
        %dma_wait3A_113 = tpu.memref_slice %arg7[%add3A_95, %dma_wait3A_112] : memref<40x128xi32, #tpu.memory_space<vmem>> -> memref<1x128xi32, #tpu.memory_space<vmem>>
        %dma_wait3A_114 = tpu.memref_squeeze %dma_wait3A_113 : memref<1x128xi32, #tpu.memory_space<vmem>> -> memref<128xi32, #tpu.memory_space<vmem>>
        %dma_wait3A_115 = arith.constant 0 : i32
        %dma_wait3A_116 = arith.constant 0 : i32
        %dma_wait3A_117 = tpu.memref_slice %arg10[%dma_wait3A_115, %dma_wait3A_116] : memref<10128x128xf32, #tpu.memory_space<vmem_shared>> -> memref<10128x128xf32, #tpu.memory_space<vmem_shared>>
        tpu.wait_indirect_dma semaphore(%run_scoped3A_97 : memref<!tpu.dma_semaphore, #tpu.memory_space<semaphore_mem>>) src(%dma_wait3A_111 : memref<128x128xf32, #tpu.memory_space<vmem>>) dst(%dma_wait3A_117 : memref<10128x128xf32, #tpu.memory_space<vmem_shared>>)
        tpu.yield
      }) : () -> ()
    }
    %scan3A_25 = arith.constant 20 : i32
    "tpu.region"() ({
      %run_scoped3A = tpu.sem_alloc : memref<!tpu.dma_semaphore, #tpu.memory_space<semaphore_mem>>
      %dma_start3A_46 = arith.constant 40 : i32
      %dma_start3A_47 = arith.constant 0 : i32
      %dma_start3A_48 = tpu.memref_slice %arg3[%add3A, %dma_start3A_46, %dma_start3A_47] : memref<32x80x128xi32, #tpu.memory_space<hbm>> -> memref<1x40x128xi32, #tpu.memory_space<hbm>>
      %dma_start3A_49 = tpu.memref_squeeze %dma_start3A_48 : memref<1x40x128xi32, #tpu.memory_space<hbm>> -> memref<40x128xi32, #tpu.memory_space<hbm>>
      %dma_start3A_50 = arith.constant 40 : i32
      %dma_start3A_51 = arith.constant 0 : i32
      %dma_start3A_52 = tpu.memref_slice %arg3[%add3A, %dma_start3A_50, %dma_start3A_51] : memref<32x80x128xi32, #tpu.memory_space<hbm>> -> memref<1x40x128xi32, #tpu.memory_space<hbm>>
      %dma_start3A_53 = tpu.memref_squeeze %dma_start3A_52 : memref<1x40x128xi32, #tpu.memory_space<hbm>> -> memref<40x128xi32, #tpu.memory_space<hbm>>
      tpu.enqueue_dma source(%dma_start3A_53 : memref<40x128xi32, #tpu.memory_space<hbm>>) target(%arg6 : memref<40x128xi32, #tpu.memory_space<vmem>>) target_semaphore(%run_scoped3A : memref<!tpu.dma_semaphore, #tpu.memory_space<semaphore_mem>>)
      %dma_wait3A = arith.constant 40 : i32
      %dma_wait3A_54 = arith.constant 0 : i32
      %dma_wait3A_55 = tpu.memref_slice %arg3[%add3A, %dma_wait3A, %dma_wait3A_54] : memref<32x80x128xi32, #tpu.memory_space<hbm>> -> memref<1x40x128xi32, #tpu.memory_space<hbm>>
      %dma_wait3A_56 = tpu.memref_squeeze %dma_wait3A_55 : memref<1x40x128xi32, #tpu.memory_space<hbm>> -> memref<40x128xi32, #tpu.memory_space<hbm>>
      %dma_wait3A_57 = arith.constant 40 : i32
      %dma_wait3A_58 = arith.constant 0 : i32
      %dma_wait3A_59 = tpu.memref_slice %arg3[%add3A, %dma_wait3A_57, %dma_wait3A_58] : memref<32x80x128xi32, #tpu.memory_space<hbm>> -> memref<1x40x128xi32, #tpu.memory_space<hbm>>
      %dma_wait3A_60 = tpu.memref_squeeze %dma_wait3A_59 : memref<1x40x128xi32, #tpu.memory_space<hbm>> -> memref<40x128xi32, #tpu.memory_space<hbm>>
      tpu.wait_dma2 semaphore(%run_scoped3A : memref<!tpu.dma_semaphore, #tpu.memory_space<semaphore_mem>>) src(%dma_wait3A_60 : memref<40x128xi32, #tpu.memory_space<hbm>>) dst(%arg6 : memref<40x128xi32, #tpu.memory_space<vmem>>)
      tpu.yield
    }) : () -> ()
    "tpu.region"() ({
      %run_scoped3A = tpu.sem_alloc : memref<!tpu.dma_semaphore, #tpu.memory_space<semaphore_mem>>
      %dma_start3A_46 = arith.constant 40 : i32
      %dma_start3A_47 = arith.constant 0 : i32
      %dma_start3A_48 = tpu.memref_slice %arg4[%add3A, %dma_start3A_46, %dma_start3A_47] : memref<32x80x128xi32, #tpu.memory_space<hbm>> -> memref<1x40x128xi32, #tpu.memory_space<hbm>>
      %dma_start3A_49 = tpu.memref_squeeze %dma_start3A_48 : memref<1x40x128xi32, #tpu.memory_space<hbm>> -> memref<40x128xi32, #tpu.memory_space<hbm>>
      %dma_start3A_50 = arith.constant 40 : i32
      %dma_start3A_51 = arith.constant 0 : i32
      %dma_start3A_52 = tpu.memref_slice %arg4[%add3A, %dma_start3A_50, %dma_start3A_51] : memref<32x80x128xi32, #tpu.memory_space<hbm>> -> memref<1x40x128xi32, #tpu.memory_space<hbm>>
      %dma_start3A_53 = tpu.memref_squeeze %dma_start3A_52 : memref<1x40x128xi32, #tpu.memory_space<hbm>> -> memref<40x128xi32, #tpu.memory_space<hbm>>
      tpu.enqueue_dma source(%dma_start3A_53 : memref<40x128xi32, #tpu.memory_space<hbm>>) target(%arg7 : memref<40x128xi32, #tpu.memory_space<vmem>>) target_semaphore(%run_scoped3A : memref<!tpu.dma_semaphore, #tpu.memory_space<semaphore_mem>>)
      %dma_wait3A = arith.constant 40 : i32
      %dma_wait3A_54 = arith.constant 0 : i32
      %dma_wait3A_55 = tpu.memref_slice %arg4[%add3A, %dma_wait3A, %dma_wait3A_54] : memref<32x80x128xi32, #tpu.memory_space<hbm>> -> memref<1x40x128xi32, #tpu.memory_space<hbm>>
      %dma_wait3A_56 = tpu.memref_squeeze %dma_wait3A_55 : memref<1x40x128xi32, #tpu.memory_space<hbm>> -> memref<40x128xi32, #tpu.memory_space<hbm>>
      %dma_wait3A_57 = arith.constant 40 : i32
      %dma_wait3A_58 = arith.constant 0 : i32
      %dma_wait3A_59 = tpu.memref_slice %arg4[%add3A, %dma_wait3A_57, %dma_wait3A_58] : memref<32x80x128xi32, #tpu.memory_space<hbm>> -> memref<1x40x128xi32, #tpu.memory_space<hbm>>
      %dma_wait3A_60 = tpu.memref_squeeze %dma_wait3A_59 : memref<1x40x128xi32, #tpu.memory_space<hbm>> -> memref<40x128xi32, #tpu.memory_space<hbm>>
      tpu.wait_dma2 semaphore(%run_scoped3A : memref<!tpu.dma_semaphore, #tpu.memory_space<semaphore_mem>>) src(%dma_wait3A_60 : memref<40x128xi32, #tpu.memory_space<hbm>>) dst(%arg7 : memref<40x128xi32, #tpu.memory_space<vmem>>)
      tpu.yield
    }) : () -> ()
    %dma_start3A_26 = arith.constant 0 : i32
    %dma_start3A_27 = arith.constant 0 : i32
    %dma_start3A_28 = arith.constant 0 : i32
    %dma_start3A_29 = arith.constant 0 : i32
    %dma_start3A_30 = tpu.memref_slice %arg8[%dma_start3A_27, %dma_start3A_28, %dma_start3A_29] : memref<2x128x128xf32, #tpu.memory_space<vmem>> -> memref<1x128x128xf32, #tpu.memory_space<vmem>>
    %dma_start3A_31 = tpu.memref_squeeze %dma_start3A_30 : memref<1x128x128xf32, #tpu.memory_space<vmem>> -> memref<128x128xf32, #tpu.memory_space<vmem>>
    %dma_start3A_32 = arith.constant 0 : i32
    %dma_start3A_33 = tpu.memref_slice %arg6[%dma_start3A_26, %dma_start3A_32] : memref<40x128xi32, #tpu.memory_space<vmem>> -> memref<1x128xi32, #tpu.memory_space<vmem>>
    %dma_start3A_34 = tpu.memref_squeeze %dma_start3A_33 : memref<1x128xi32, #tpu.memory_space<vmem>> -> memref<128xi32, #tpu.memory_space<vmem>>
    %dma_start3A_35 = arith.constant 0 : i32
    %dma_start3A_36 = arith.constant 0 : i32
    %dma_start3A_37 = tpu.memref_slice %arg2[%dma_start3A_35, %dma_start3A_36] : memref<10000x128xf32, #tpu.memory_space<hbm>> -> memref<10000x128xf32, #tpu.memory_space<hbm>>
    tpu.enqueue_indirect_dma source(%dma_start3A_37 : memref<10000x128xf32, #tpu.memory_space<hbm>>) target(%dma_start3A_31 : memref<128x128xf32, #tpu.memory_space<vmem>>) offsets(%dma_start3A_34 : memref<128xi32, #tpu.memory_space<vmem>>) semaphore(%arg11 : memref<!tpu.dma_semaphore, #tpu.memory_space<semaphore_mem>>)
    %scan3A_38 = arith.constant 0 : i32
    %scan3A_39 = arith.constant 20 : i32
    %scan3A_40 = arith.addi %scan3A_38, %scan3A_39 : i32
    %scan3A_41 = arith.constant 1 : i32
    scf.for %scan3A_46 = %scan3A_38 to %scan3A_40 step %scan3A_41  : i32 {
      %mul3A_47 = arith.constant 2 : i32
      %mul3A_48 = arith.muli %scan3A_46, %mul3A_47 : i32
      %add3A_49 = arith.constant 0 : i32
      %add3A_50 = arith.addi %add3A_49, %mul3A_48 : i32
      %add3A_51 = arith.constant 1 : i32
      %add3A_52 = arith.addi %add3A_50, %add3A_51 : i32
      %dma_start3A_53 = arith.constant 1 : i32
      %dma_start3A_54 = arith.constant 0 : i32
      %dma_start3A_55 = arith.constant 0 : i32
      %dma_start3A_56 = tpu.memref_slice %arg8[%dma_start3A_53, %dma_start3A_54, %dma_start3A_55] : memref<2x128x128xf32, #tpu.memory_space<vmem>> -> memref<1x128x128xf32, #tpu.memory_space<vmem>>
      %dma_start3A_57 = tpu.memref_squeeze %dma_start3A_56 : memref<1x128x128xf32, #tpu.memory_space<vmem>> -> memref<128x128xf32, #tpu.memory_space<vmem>>
      %dma_start3A_58 = arith.constant 0 : i32
      %dma_start3A_59 = tpu.memref_slice %arg6[%add3A_52, %dma_start3A_58] : memref<40x128xi32, #tpu.memory_space<vmem>> -> memref<1x128xi32, #tpu.memory_space<vmem>>
      %dma_start3A_60 = tpu.memref_squeeze %dma_start3A_59 : memref<1x128xi32, #tpu.memory_space<vmem>> -> memref<128xi32, #tpu.memory_space<vmem>>
      %dma_start3A_61 = arith.constant 0 : i32
      %dma_start3A_62 = arith.constant 0 : i32
      %dma_start3A_63 = tpu.memref_slice %arg2[%dma_start3A_61, %dma_start3A_62] : memref<10000x128xf32, #tpu.memory_space<hbm>> -> memref<10000x128xf32, #tpu.memory_space<hbm>>
      tpu.enqueue_indirect_dma source(%dma_start3A_63 : memref<10000x128xf32, #tpu.memory_space<hbm>>) target(%dma_start3A_57 : memref<128x128xf32, #tpu.memory_space<vmem>>) offsets(%dma_start3A_60 : memref<128xi32, #tpu.memory_space<vmem>>) semaphore(%arg12 : memref<!tpu.dma_semaphore, #tpu.memory_space<semaphore_mem>>)
      %dma_wait3A = arith.constant 0 : i32
      %dma_wait3A_64 = arith.constant 0 : i32
      %dma_wait3A_65 = arith.constant 0 : i32
      %dma_wait3A_66 = tpu.memref_slice %arg8[%dma_wait3A, %dma_wait3A_64, %dma_wait3A_65] : memref<2x128x128xf32, #tpu.memory_space<vmem>> -> memref<1x128x128xf32, #tpu.memory_space<vmem>>
      %dma_wait3A_67 = tpu.memref_squeeze %dma_wait3A_66 : memref<1x128x128xf32, #tpu.memory_space<vmem>> -> memref<128x128xf32, #tpu.memory_space<vmem>>
      %dma_wait3A_68 = arith.constant 0 : i32
      %dma_wait3A_69 = tpu.memref_slice %arg6[%add3A_50, %dma_wait3A_68] : memref<40x128xi32, #tpu.memory_space<vmem>> -> memref<1x128xi32, #tpu.memory_space<vmem>>
      %dma_wait3A_70 = tpu.memref_squeeze %dma_wait3A_69 : memref<1x128xi32, #tpu.memory_space<vmem>> -> memref<128xi32, #tpu.memory_space<vmem>>
      %dma_wait3A_71 = arith.constant 0 : i32
      %dma_wait3A_72 = arith.constant 0 : i32
      %dma_wait3A_73 = tpu.memref_slice %arg2[%dma_wait3A_71, %dma_wait3A_72] : memref<10000x128xf32, #tpu.memory_space<hbm>> -> memref<10000x128xf32, #tpu.memory_space<hbm>>
      tpu.wait_indirect_dma semaphore(%arg11 : memref<!tpu.dma_semaphore, #tpu.memory_space<semaphore_mem>>) src(%dma_wait3A_73 : memref<10000x128xf32, #tpu.memory_space<hbm>>) dst(%dma_wait3A_67 : memref<128x128xf32, #tpu.memory_space<vmem>>)
      %run_scoped3A = arith.constant 0 : i32
      "tpu.region"() ({
        %run_scoped3A_97 = tpu.sem_alloc : memref<!tpu.dma_semaphore, #tpu.memory_space<semaphore_mem>>
        %dma_start3A_98 = arith.constant 0 : i32
        %dma_start3A_99 = arith.constant 0 : i32
        %dma_start3A_100 = tpu.memref_slice %arg8[%run_scoped3A, %dma_start3A_98, %dma_start3A_99] : memref<2x128x128xf32, #tpu.memory_space<vmem>> -> memref<1x128x128xf32, #tpu.memory_space<vmem>>
        %dma_start3A_101 = tpu.memref_squeeze %dma_start3A_100 : memref<1x128x128xf32, #tpu.memory_space<vmem>> -> memref<128x128xf32, #tpu.memory_space<vmem>>
        %dma_start3A_102 = arith.constant 0 : i32
        %dma_start3A_103 = tpu.memref_slice %arg7[%add3A_50, %dma_start3A_102] : memref<40x128xi32, #tpu.memory_space<vmem>> -> memref<1x128xi32, #tpu.memory_space<vmem>>
        %dma_start3A_104 = tpu.memref_squeeze %dma_start3A_103 : memref<1x128xi32, #tpu.memory_space<vmem>> -> memref<128xi32, #tpu.memory_space<vmem>>
        %dma_start3A_105 = arith.constant 0 : i32
        %dma_start3A_106 = arith.constant 0 : i32
        %dma_start3A_107 = tpu.memref_slice %arg10[%dma_start3A_105, %dma_start3A_106] : memref<10128x128xf32, #tpu.memory_space<vmem_shared>> -> memref<10128x128xf32, #tpu.memory_space<vmem_shared>>
        tpu.enqueue_indirect_dma source(%dma_start3A_101 : memref<128x128xf32, #tpu.memory_space<vmem>>) target(%dma_start3A_107 : memref<10128x128xf32, #tpu.memory_space<vmem_shared>>) offsets(%dma_start3A_104 : memref<128xi32, #tpu.memory_space<vmem>>) semaphore(%run_scoped3A_97 : memref<!tpu.dma_semaphore, #tpu.memory_space<semaphore_mem>>) {add = true}
        %dma_wait3A_108 = arith.constant 0 : i32
        %dma_wait3A_109 = arith.constant 0 : i32
        %dma_wait3A_110 = tpu.memref_slice %arg8[%run_scoped3A, %dma_wait3A_108, %dma_wait3A_109] : memref<2x128x128xf32, #tpu.memory_space<vmem>> -> memref<1x128x128xf32, #tpu.memory_space<vmem>>
        %dma_wait3A_111 = tpu.memref_squeeze %dma_wait3A_110 : memref<1x128x128xf32, #tpu.memory_space<vmem>> -> memref<128x128xf32, #tpu.memory_space<vmem>>
        %dma_wait3A_112 = arith.constant 0 : i32
        %dma_wait3A_113 = tpu.memref_slice %arg7[%add3A_50, %dma_wait3A_112] : memref<40x128xi32, #tpu.memory_space<vmem>> -> memref<1x128xi32, #tpu.memory_space<vmem>>
        %dma_wait3A_114 = tpu.memref_squeeze %dma_wait3A_113 : memref<1x128xi32, #tpu.memory_space<vmem>> -> memref<128xi32, #tpu.memory_space<vmem>>
        %dma_wait3A_115 = arith.constant 0 : i32
        %dma_wait3A_116 = arith.constant 0 : i32
        %dma_wait3A_117 = tpu.memref_slice %arg10[%dma_wait3A_115, %dma_wait3A_116] : memref<10128x128xf32, #tpu.memory_space<vmem_shared>> -> memref<10128x128xf32, #tpu.memory_space<vmem_shared>>
        tpu.wait_indirect_dma semaphore(%run_scoped3A_97 : memref<!tpu.dma_semaphore, #tpu.memory_space<semaphore_mem>>) src(%dma_wait3A_111 : memref<128x128xf32, #tpu.memory_space<vmem>>) dst(%dma_wait3A_117 : memref<10128x128xf32, #tpu.memory_space<vmem_shared>>)
        tpu.yield
      }) : () -> ()
      %add3A_74 = arith.constant 2 : i32
      %add3A_75 = arith.addi %add3A_50, %add3A_74 : i32
      %lt3A_76 = arith.constant 40 : i32
      %lt3A_77 = arith.cmpi slt, %add3A_75, %lt3A_76 : i32
      %convert_element_type3A_78 = arith.extui %lt3A_77 : i1 to i32
      %cond3A_79 = arith.constant 0 : i32
      %cond3A_80 = arith.cmpi ne, %convert_element_type3A_78, %cond3A_79 : i32
      scf.if %cond3A_80 {
        %add3A_97 = arith.constant 2 : i32
        %add3A_98 = arith.addi %add3A_50, %add3A_97 : i32
        %dma_start3A_99 = arith.constant 0 : i32
        %dma_start3A_100 = arith.constant 0 : i32
        %dma_start3A_101 = arith.constant 0 : i32
        %dma_start3A_102 = tpu.memref_slice %arg8[%dma_start3A_99, %dma_start3A_100, %dma_start3A_101] : memref<2x128x128xf32, #tpu.memory_space<vmem>> -> memref<1x128x128xf32, #tpu.memory_space<vmem>>
        %dma_start3A_103 = tpu.memref_squeeze %dma_start3A_102 : memref<1x128x128xf32, #tpu.memory_space<vmem>> -> memref<128x128xf32, #tpu.memory_space<vmem>>
        %dma_start3A_104 = arith.constant 0 : i32
        %dma_start3A_105 = tpu.memref_slice %arg6[%add3A_98, %dma_start3A_104] : memref<40x128xi32, #tpu.memory_space<vmem>> -> memref<1x128xi32, #tpu.memory_space<vmem>>
        %dma_start3A_106 = tpu.memref_squeeze %dma_start3A_105 : memref<1x128xi32, #tpu.memory_space<vmem>> -> memref<128xi32, #tpu.memory_space<vmem>>
        %dma_start3A_107 = arith.constant 0 : i32
        %dma_start3A_108 = arith.constant 0 : i32
        %dma_start3A_109 = tpu.memref_slice %arg2[%dma_start3A_107, %dma_start3A_108] : memref<10000x128xf32, #tpu.memory_space<hbm>> -> memref<10000x128xf32, #tpu.memory_space<hbm>>
        tpu.enqueue_indirect_dma source(%dma_start3A_109 : memref<10000x128xf32, #tpu.memory_space<hbm>>) target(%dma_start3A_103 : memref<128x128xf32, #tpu.memory_space<vmem>>) offsets(%dma_start3A_106 : memref<128xi32, #tpu.memory_space<vmem>>) semaphore(%arg11 : memref<!tpu.dma_semaphore, #tpu.memory_space<semaphore_mem>>)
      } else {
      }
      %add3A_81 = arith.constant 1 : i32
      %add3A_82 = arith.addi %add3A_50, %add3A_81 : i32
      %dma_wait3A_83 = arith.constant 1 : i32
      %dma_wait3A_84 = arith.constant 0 : i32
      %dma_wait3A_85 = arith.constant 0 : i32
      %dma_wait3A_86 = tpu.memref_slice %arg8[%dma_wait3A_83, %dma_wait3A_84, %dma_wait3A_85] : memref<2x128x128xf32, #tpu.memory_space<vmem>> -> memref<1x128x128xf32, #tpu.memory_space<vmem>>
      %dma_wait3A_87 = tpu.memref_squeeze %dma_wait3A_86 : memref<1x128x128xf32, #tpu.memory_space<vmem>> -> memref<128x128xf32, #tpu.memory_space<vmem>>
      %dma_wait3A_88 = arith.constant 0 : i32
      %dma_wait3A_89 = tpu.memref_slice %arg6[%add3A_82, %dma_wait3A_88] : memref<40x128xi32, #tpu.memory_space<vmem>> -> memref<1x128xi32, #tpu.memory_space<vmem>>
      %dma_wait3A_90 = tpu.memref_squeeze %dma_wait3A_89 : memref<1x128xi32, #tpu.memory_space<vmem>> -> memref<128xi32, #tpu.memory_space<vmem>>
      %dma_wait3A_91 = arith.constant 0 : i32
      %dma_wait3A_92 = arith.constant 0 : i32
      %dma_wait3A_93 = tpu.memref_slice %arg2[%dma_wait3A_91, %dma_wait3A_92] : memref<10000x128xf32, #tpu.memory_space<hbm>> -> memref<10000x128xf32, #tpu.memory_space<hbm>>
      tpu.wait_indirect_dma semaphore(%arg12 : memref<!tpu.dma_semaphore, #tpu.memory_space<semaphore_mem>>) src(%dma_wait3A_93 : memref<10000x128xf32, #tpu.memory_space<hbm>>) dst(%dma_wait3A_87 : memref<128x128xf32, #tpu.memory_space<vmem>>)
      %add3A_94 = arith.constant 1 : i32
      %add3A_95 = arith.addi %add3A_50, %add3A_94 : i32
      %run_scoped3A_96 = arith.constant 1 : i32
      "tpu.region"() ({
        %run_scoped3A_97 = tpu.sem_alloc : memref<!tpu.dma_semaphore, #tpu.memory_space<semaphore_mem>>
        %dma_start3A_98 = arith.constant 0 : i32
        %dma_start3A_99 = arith.constant 0 : i32
        %dma_start3A_100 = tpu.memref_slice %arg8[%run_scoped3A_96, %dma_start3A_98, %dma_start3A_99] : memref<2x128x128xf32, #tpu.memory_space<vmem>> -> memref<1x128x128xf32, #tpu.memory_space<vmem>>
        %dma_start3A_101 = tpu.memref_squeeze %dma_start3A_100 : memref<1x128x128xf32, #tpu.memory_space<vmem>> -> memref<128x128xf32, #tpu.memory_space<vmem>>
        %dma_start3A_102 = arith.constant 0 : i32
        %dma_start3A_103 = tpu.memref_slice %arg7[%add3A_95, %dma_start3A_102] : memref<40x128xi32, #tpu.memory_space<vmem>> -> memref<1x128xi32, #tpu.memory_space<vmem>>
        %dma_start3A_104 = tpu.memref_squeeze %dma_start3A_103 : memref<1x128xi32, #tpu.memory_space<vmem>> -> memref<128xi32, #tpu.memory_space<vmem>>
        %dma_start3A_105 = arith.constant 0 : i32
        %dma_start3A_106 = arith.constant 0 : i32
        %dma_start3A_107 = tpu.memref_slice %arg10[%dma_start3A_105, %dma_start3A_106] : memref<10128x128xf32, #tpu.memory_space<vmem_shared>> -> memref<10128x128xf32, #tpu.memory_space<vmem_shared>>
        tpu.enqueue_indirect_dma source(%dma_start3A_101 : memref<128x128xf32, #tpu.memory_space<vmem>>) target(%dma_start3A_107 : memref<10128x128xf32, #tpu.memory_space<vmem_shared>>) offsets(%dma_start3A_104 : memref<128xi32, #tpu.memory_space<vmem>>) semaphore(%run_scoped3A_97 : memref<!tpu.dma_semaphore, #tpu.memory_space<semaphore_mem>>) {add = true}
        %dma_wait3A_108 = arith.constant 0 : i32
        %dma_wait3A_109 = arith.constant 0 : i32
        %dma_wait3A_110 = tpu.memref_slice %arg8[%run_scoped3A_96, %dma_wait3A_108, %dma_wait3A_109] : memref<2x128x128xf32, #tpu.memory_space<vmem>> -> memref<1x128x128xf32, #tpu.memory_space<vmem>>
        %dma_wait3A_111 = tpu.memref_squeeze %dma_wait3A_110 : memref<1x128x128xf32, #tpu.memory_space<vmem>> -> memref<128x128xf32, #tpu.memory_space<vmem>>
        %dma_wait3A_112 = arith.constant 0 : i32
        %dma_wait3A_113 = tpu.memref_slice %arg7[%add3A_95, %dma_wait3A_112] : memref<40x128xi32, #tpu.memory_space<vmem>> -> memref<1x128xi32, #tpu.memory_space<vmem>>
        %dma_wait3A_114 = tpu.memref_squeeze %dma_wait3A_113 : memref<1x128xi32, #tpu.memory_space<vmem>> -> memref<128xi32, #tpu.memory_space<vmem>>
        %dma_wait3A_115 = arith.constant 0 : i32
        %dma_wait3A_116 = arith.constant 0 : i32
        %dma_wait3A_117 = tpu.memref_slice %arg10[%dma_wait3A_115, %dma_wait3A_116] : memref<10128x128xf32, #tpu.memory_space<vmem_shared>> -> memref<10128x128xf32, #tpu.memory_space<vmem_shared>>
        tpu.wait_indirect_dma semaphore(%run_scoped3A_97 : memref<!tpu.dma_semaphore, #tpu.memory_space<semaphore_mem>>) src(%dma_wait3A_111 : memref<128x128xf32, #tpu.memory_space<vmem>>) dst(%dma_wait3A_117 : memref<10128x128xf32, #tpu.memory_space<vmem_shared>>)
        tpu.yield
      }) : () -> ()
    }
    %scan3A_42 = arith.constant 20 : i32
    %barrier3A_43 = arith.constant 0 : index
    tpu.barrier barrier_id(%barrier3A_43)
    %lt3A = arith.constant 10 : i32
    %lt3A_44 = arith.cmpi slt, %arg1, %lt3A : i32
    %convert_element_type3A = arith.extui %lt3A_44 : i1 to i32
    %cond3A = arith.constant 0 : i32
    %cond3A_45 = arith.cmpi ne, %convert_element_type3A, %cond3A : i32
    scf.if %cond3A_45 {
      %mul3A_46 = arith.constant 1000 : i32
      %mul3A_47 = arith.muli %arg1, %mul3A_46 : i32
      %mul3A_48 = arith.constant 1000 : i32
      %mul3A_49 = arith.muli %arg1, %mul3A_48 : i32
      "tpu.region"() ({
        %run_scoped3A = tpu.sem_alloc : memref<!tpu.dma_semaphore, #tpu.memory_space<semaphore_mem>>
        %dma_start3A_50 = arith.constant 0 : i32
        %dma_start3A_51 = tpu.memref_slice %arg5[%arg0, %mul3A_49, %dma_start3A_50] : memref<2x10000x128xf32, #tpu.memory_space<hbm>> -> memref<1x1000x128xf32, #tpu.memory_space<hbm>>
        %dma_start3A_52 = tpu.memref_squeeze %dma_start3A_51 : memref<1x1000x128xf32, #tpu.memory_space<hbm>> -> memref<1000x128xf32, #tpu.memory_space<hbm>>
        %dma_start3A_53 = arith.constant 0 : i32
        %dma_start3A_54 = tpu.memref_slice %arg10[%mul3A_47, %dma_start3A_53] : memref<10128x128xf32, #tpu.memory_space<vmem_shared>> -> memref<1000x128xf32, #tpu.memory_space<vmem_shared>>
        tpu.enqueue_dma source(%dma_start3A_54 : memref<1000x128xf32, #tpu.memory_space<vmem_shared>>) target(%dma_start3A_52 : memref<1000x128xf32, #tpu.memory_space<hbm>>) target_semaphore(%run_scoped3A : memref<!tpu.dma_semaphore, #tpu.memory_space<semaphore_mem>>)
        %dma_wait3A = arith.constant 0 : i32
        %dma_wait3A_55 = tpu.memref_slice %arg5[%arg0, %mul3A_49, %dma_wait3A] : memref<2x10000x128xf32, #tpu.memory_space<hbm>> -> memref<1x1000x128xf32, #tpu.memory_space<hbm>>
        %dma_wait3A_56 = tpu.memref_squeeze %dma_wait3A_55 : memref<1x1000x128xf32, #tpu.memory_space<hbm>> -> memref<1000x128xf32, #tpu.memory_space<hbm>>
        %dma_wait3A_57 = arith.constant 0 : i32
        %dma_wait3A_58 = tpu.memref_slice %arg10[%mul3A_47, %dma_wait3A_57] : memref<10128x128xf32, #tpu.memory_space<vmem_shared>> -> memref<1000x128xf32, #tpu.memory_space<vmem_shared>>
        tpu.wait_dma2 semaphore(%run_scoped3A : memref<!tpu.dma_semaphore, #tpu.memory_space<semaphore_mem>>) src(%dma_wait3A_58 : memref<1000x128xf32, #tpu.memory_space<vmem_shared>>) dst(%dma_wait3A_56 : memref<1000x128xf32, #tpu.memory_space<hbm>>)
        tpu.yield
      }) : () -> ()
    } else {
    }
    return
  }
}

module attributes {stable_mosaic.version = 14 : i64} {
  func.func @body(%arg0: i32, %arg1: memref<5000x128xf32, #tpu.memory_space<vmem>>, %arg2: memref<1x5000x128xf32, #tpu.memory_space<vmem>>, %arg3: memref<1x5000x128xf32, #tpu.memory_space<vmem>>, %arg4: memref<128x128xf32, #tpu.memory_space<vmem>>, %arg5: memref<1x128xf32, #tpu.memory_space<vmem>>, %arg6: memref<128x128xf32, #tpu.memory_space<vmem>>, %arg7: memref<1x128xf32, #tpu.memory_space<vmem>>, %arg8: memref<5000x128xf32, #tpu.memory_space<vmem>>) attributes {dimension_semantics = [#tpu.dimension_semantics<arbitrary>], iteration_bounds = array<i64: 2>, scalar_prefetch = 0 : i64, scratch_operands = 0 : i64, tpu.core_type = #tpu.core_type<tc>, window_params = [{transform_indices = @transform_0, window_bounds = array<i64: 5000, 128>}, {transform_indices = @transform_1, window_bounds = array<i64: 1, 5000, 128>}, {transform_indices = @transform_2, window_bounds = array<i64: 1, 5000, 128>}, {pipeline_mode = #tpu.pipeline_mode<synchronous>, transform_indices = @transform_3, window_bounds = array<i64: 128, 128>}, {pipeline_mode = #tpu.pipeline_mode<synchronous>, transform_indices = @transform_4, window_bounds = array<i64: 1, 128>}, {pipeline_mode = #tpu.pipeline_mode<synchronous>, transform_indices = @transform_5, window_bounds = array<i64: 128, 128>}, {pipeline_mode = #tpu.pipeline_mode<synchronous>, transform_indices = @transform_6, window_bounds = array<i64: 1, 128>}, {transform_indices = @transform_7, window_bounds = array<i64: 5000, 128>}]} {
    %get3A = arith.constant 0 : index
    %get3A_0 = arith.constant 0 : index
    %get3A_1 = vector.load %arg1[%get3A, %get3A_0] : memref<5000x128xf32, #tpu.memory_space<vmem>>, vector<5000x128xf32>
    %get3A_2 = arith.constant 0 : index
    %get3A_3 = arith.constant 0 : index
    %get3A_4 = arith.constant 0 : index
    %get3A_5 = vector.load %arg2[%get3A_2, %get3A_3, %get3A_4] : memref<1x5000x128xf32, #tpu.memory_space<vmem>>, vector<1x5000x128xf32>
    %get3A_6 = vector.shape_cast %get3A_5 : vector<1x5000x128xf32> to vector<5000x128xf32>
    %add3A = arith.addf %get3A_1, %get3A_6 : vector<5000x128xf32>
    %get3A_7 = arith.constant 0 : index
    %get3A_8 = arith.constant 0 : index
    %get3A_9 = arith.constant 0 : index
    %get3A_10 = vector.load %arg3[%get3A_7, %get3A_8, %get3A_9] : memref<1x5000x128xf32, #tpu.memory_space<vmem>>, vector<1x5000x128xf32>
    %get3A_11 = vector.shape_cast %get3A_10 : vector<1x5000x128xf32> to vector<5000x128xf32>
    %add3A_12 = arith.addf %add3A, %get3A_11 : vector<5000x128xf32>
    %convert_element_type3A = arith.truncf %add3A_12 : vector<5000x128xf32> to vector<5000x128xbf16>
    %get3A_13 = arith.constant 0 : index
    %get3A_14 = arith.constant 0 : index
    %get3A_15 = vector.load %arg4[%get3A_13, %get3A_14] : memref<128x128xf32, #tpu.memory_space<vmem>>, vector<128x128xf32>
    %convert_element_type3A_16 = arith.truncf %get3A_15 : vector<128x128xf32> to vector<128x128xbf16>
    %dot_general3A = arith.constant dense<0.000000e+00> : vector<5000x128xf32>
    %dot_general3A_17 = tpu.matmul %convert_element_type3A, %convert_element_type3A_16, %dot_general3A {dimension_numbers = #tpu.dot_dimension_numbers<[1], [0], [0], [1], [0, 0, 1, 1], [], []>, transpose_lhs_hint = false} : vector<5000x128xbf16>, vector<128x128xbf16>, vector<5000x128xf32> -> vector<5000x128xf32>
    %get3A_18 = arith.constant 0 : index
    %get3A_19 = arith.constant 0 : index
    %get3A_20 = vector.load %arg5[%get3A_18, %get3A_19] : memref<1x128xf32, #tpu.memory_space<vmem>>, vector<1x128xf32>
    %add3A_21 = vector.broadcast %get3A_20 : vector<1x128xf32> to vector<5000x128xf32>
    %add3A_22 = arith.addf %dot_general3A_17, %add3A_21 : vector<5000x128xf32>
    %max3A = arith.constant 0.000000e+00 : f32
    %max3A_23 = vector.broadcast %max3A : f32 to vector<5000x128xf32>
    %max3A_24 = arith.maximumf %add3A_22, %max3A_23 : vector<5000x128xf32>
    %convert_element_type3A_25 = arith.truncf %max3A_24 : vector<5000x128xf32> to vector<5000x128xbf16>
    %get3A_26 = arith.constant 0 : index
    %get3A_27 = arith.constant 0 : index
    %get3A_28 = vector.load %arg6[%get3A_26, %get3A_27] : memref<128x128xf32, #tpu.memory_space<vmem>>, vector<128x128xf32>
    %convert_element_type3A_29 = arith.truncf %get3A_28 : vector<128x128xf32> to vector<128x128xbf16>
    %dot_general3A_30 = arith.constant dense<0.000000e+00> : vector<5000x128xf32>
    %dot_general3A_31 = tpu.matmul %convert_element_type3A_25, %convert_element_type3A_29, %dot_general3A_30 {dimension_numbers = #tpu.dot_dimension_numbers<[1], [0], [0], [1], [0, 0, 1, 1], [], []>, transpose_lhs_hint = false} : vector<5000x128xbf16>, vector<128x128xbf16>, vector<5000x128xf32> -> vector<5000x128xf32>
    %get3A_32 = arith.constant 0 : index
    %get3A_33 = arith.constant 0 : index
    %get3A_34 = vector.load %arg7[%get3A_32, %get3A_33] : memref<1x128xf32, #tpu.memory_space<vmem>>, vector<1x128xf32>
    %add3A_35 = vector.broadcast %get3A_34 : vector<1x128xf32> to vector<5000x128xf32>
    %add3A_36 = arith.addf %dot_general3A_31, %add3A_35 : vector<5000x128xf32>
    %max3A_37 = arith.constant 0.000000e+00 : f32
    %max3A_38 = vector.broadcast %max3A_37 : f32 to vector<5000x128xf32>
    %max3A_39 = arith.maximumf %add3A_36, %max3A_38 : vector<5000x128xf32>
    %swap3A = arith.constant 0 : index
    %swap3A_40 = arith.constant 0 : index
    %swap3A_41 = vector.load %arg8[%swap3A, %swap3A_40] : memref<5000x128xf32, #tpu.memory_space<vmem>>, vector<5000x128xf32>
    tpu.vector_store %arg8[%swap3A, %swap3A_40], %max3A_39 {strides = array<i32>} : memref<5000x128xf32, #tpu.memory_space<vmem>>, vector<5000x128xf32>,
    return
  }
  func.func @transform_0(%arg0: i32) -> (i32, i32) {
    %c0_i32 = arith.constant 0 : i32
    %c0_i32_0 = arith.constant 0 : i32
    return %arg0, %c0_i32 : i32, i32
  }
  func.func @transform_1(%arg0: i32) -> (i32, i32, i32) {
    %c0_i32 = arith.constant 0 : i32
    %c0_i32_0 = arith.constant 0 : i32
    %c0_i32_1 = arith.constant 0 : i32
    return %c0_i32, %arg0, %c0_i32_0 : i32, i32, i32
  }
  func.func @transform_2(%arg0: i32) -> (i32, i32, i32) {
    %c1_i32 = arith.constant 1 : i32
    %c0_i32 = arith.constant 0 : i32
    %c0_i32_0 = arith.constant 0 : i32
    return %c1_i32, %arg0, %c0_i32 : i32, i32, i32
  }
  func.func @transform_3(%arg0: i32) -> (i32, i32) {
    %c0_i32 = arith.constant 0 : i32
    %c0_i32_0 = arith.constant 0 : i32
    %c0_i32_1 = arith.constant 0 : i32
    return %c0_i32, %c0_i32_0 : i32, i32
  }
  func.func @transform_4(%arg0: i32) -> (i32, i32) {
    %c0_i32 = arith.constant 0 : i32
    %c0_i32_0 = arith.constant 0 : i32
    %c0_i32_1 = arith.constant 0 : i32
    return %c0_i32, %c0_i32_0 : i32, i32
  }
  func.func @transform_5(%arg0: i32) -> (i32, i32) {
    %c0_i32 = arith.constant 0 : i32
    %c0_i32_0 = arith.constant 0 : i32
    %c0_i32_1 = arith.constant 0 : i32
    return %c0_i32, %c0_i32_0 : i32, i32
  }
  func.func @transform_6(%arg0: i32) -> (i32, i32) {
    %c0_i32 = arith.constant 0 : i32
    %c0_i32_0 = arith.constant 0 : i32
    %c0_i32_1 = arith.constant 0 : i32
    return %c0_i32, %c0_i32_0 : i32, i32
  }
  func.func @transform_7(%arg0: i32) -> (i32, i32) {
    %c0_i32 = arith.constant 0 : i32
    %c0_i32_0 = arith.constant 0 : i32
    return %arg0, %c0_i32 : i32, i32
  }
}

module attributes {stable_mosaic.version = 14 : i64} {
  func.func @body(%arg0: i32, %arg1: memref<5000x128xf32, #tpu.memory_space<vmem>>, %arg2: memref<1x5000x128xf32, #tpu.memory_space<vmem>>, %arg3: memref<1x5000x128xf32, #tpu.memory_space<vmem>>, %arg4: memref<128x128xf32, #tpu.memory_space<vmem>>, %arg5: memref<1x128xf32, #tpu.memory_space<vmem>>, %arg6: memref<128x128xf32, #tpu.memory_space<vmem>>, %arg7: memref<1x128xf32, #tpu.memory_space<vmem>>, %arg8: memref<1x1x5000xi32, #tpu.memory_space<vmem>>, %arg9: memref<128x1xf32, #tpu.memory_space<vmem>>, %arg10: memref<1x1xf32, #tpu.memory_space<vmem>>, %arg11: memref<64x1xf32, #tpu.memory_space<vmem>>, %arg12: memref<64x128xf32, #tpu.memory_space<vmem>>, %arg13: memref<64x1xf32, #tpu.memory_space<vmem>>) attributes {dimension_semantics = [#tpu.dimension_semantics<arbitrary>], iteration_bounds = array<i64: 2>, scalar_prefetch = 0 : i64, scratch_operands = 2 : i64, tpu.core_type = #tpu.core_type<tc>, window_params = [{transform_indices = @transform_0, window_bounds = array<i64: 5000, 128>}, {transform_indices = @transform_1, window_bounds = array<i64: 1, 5000, 128>}, {transform_indices = @transform_2, window_bounds = array<i64: 1, 5000, 128>}, {pipeline_mode = #tpu.pipeline_mode<synchronous>, transform_indices = @transform_3, window_bounds = array<i64: 128, 128>}, {pipeline_mode = #tpu.pipeline_mode<synchronous>, transform_indices = @transform_4, window_bounds = array<i64: 1, 128>}, {pipeline_mode = #tpu.pipeline_mode<synchronous>, transform_indices = @transform_5, window_bounds = array<i64: 128, 128>}, {pipeline_mode = #tpu.pipeline_mode<synchronous>, transform_indices = @transform_6, window_bounds = array<i64: 1, 128>}, {transform_indices = @transform_7, window_bounds = array<i64: 1, 1, 5000>}, {pipeline_mode = #tpu.pipeline_mode<synchronous>, transform_indices = @transform_8, window_bounds = array<i64: 128, 1>}, {pipeline_mode = #tpu.pipeline_mode<synchronous>, transform_indices = @transform_9, window_bounds = array<i64: 1, 1>}, {pipeline_mode = #tpu.pipeline_mode<synchronous>, transform_indices = @transform_10, window_bounds = array<i64: 64, 1>}]} {
    %eq3A = arith.constant 0 : i32
    %eq3A_0 = arith.cmpi eq, %arg0, %eq3A : i32
    %convert_element_type3A = arith.extui %eq3A_0 : i1 to i32
    %cond3A = arith.constant 0 : i32
    %cond3A_1 = arith.cmpi ne, %convert_element_type3A, %cond3A : i32
    scf.if %cond3A_1 {
      %broadcast_in_dim3A_74 = arith.constant 0.000000e+00 : f32
      %broadcast_in_dim3A_75 = vector.broadcast %broadcast_in_dim3A_74 : f32 to vector<64x128xf32>
      %swap3A_76 = arith.constant 0 : index
      %swap3A_77 = arith.constant 0 : index
      %swap3A_78 = vector.load %arg12[%swap3A_76, %swap3A_77] : memref<64x128xf32, #tpu.memory_space<vmem>>, vector<64x128xf32>
      tpu.vector_store %arg12[%swap3A_76, %swap3A_77], %broadcast_in_dim3A_75 {strides = array<i32>} : memref<64x128xf32, #tpu.memory_space<vmem>>, vector<64x128xf32>,
      %broadcast_in_dim3A_79 = arith.constant 0.000000e+00 : f32
      %broadcast_in_dim3A_80 = vector.broadcast %broadcast_in_dim3A_79 : f32 to vector<64x1xf32>
      %swap3A_81 = arith.constant 0 : index
      %swap3A_82 = arith.constant 0 : index
      %swap3A_83 = vector.load %arg13[%swap3A_81, %swap3A_82] : memref<64x1xf32, #tpu.memory_space<vmem>>, vector<64x1xf32>
      tpu.vector_store %arg13[%swap3A_81, %swap3A_82], %broadcast_in_dim3A_80 {strides = array<i32>} : memref<64x1xf32, #tpu.memory_space<vmem>>, vector<64x1xf32>,
    } else {
    }
    %get3A = arith.constant 0 : index
    %get3A_2 = arith.constant 0 : index
    %get3A_3 = vector.load %arg1[%get3A, %get3A_2] : memref<5000x128xf32, #tpu.memory_space<vmem>>, vector<5000x128xf32>
    %get3A_4 = arith.constant 0 : index
    %get3A_5 = arith.constant 0 : index
    %get3A_6 = arith.constant 0 : index
    %get3A_7 = vector.load %arg2[%get3A_4, %get3A_5, %get3A_6] : memref<1x5000x128xf32, #tpu.memory_space<vmem>>, vector<1x5000x128xf32>
    %get3A_8 = vector.shape_cast %get3A_7 : vector<1x5000x128xf32> to vector<5000x128xf32>
    %add3A = arith.addf %get3A_3, %get3A_8 : vector<5000x128xf32>
    %get3A_9 = arith.constant 0 : index
    %get3A_10 = arith.constant 0 : index
    %get3A_11 = arith.constant 0 : index
    %get3A_12 = vector.load %arg3[%get3A_9, %get3A_10, %get3A_11] : memref<1x5000x128xf32, #tpu.memory_space<vmem>>, vector<1x5000x128xf32>
    %get3A_13 = vector.shape_cast %get3A_12 : vector<1x5000x128xf32> to vector<5000x128xf32>
    %add3A_14 = arith.addf %add3A, %get3A_13 : vector<5000x128xf32>
    %convert_element_type3A_15 = arith.truncf %add3A_14 : vector<5000x128xf32> to vector<5000x128xbf16>
    %get3A_16 = arith.constant 0 : index
    %get3A_17 = arith.constant 0 : index
    %get3A_18 = vector.load %arg4[%get3A_16, %get3A_17] : memref<128x128xf32, #tpu.memory_space<vmem>>, vector<128x128xf32>
    %convert_element_type3A_19 = arith.truncf %get3A_18 : vector<128x128xf32> to vector<128x128xbf16>
    %dot_general3A = arith.constant dense<0.000000e+00> : vector<5000x128xf32>
    %dot_general3A_20 = tpu.matmul %convert_element_type3A_15, %convert_element_type3A_19, %dot_general3A {dimension_numbers = #tpu.dot_dimension_numbers<[1], [0], [0], [1], [0, 0, 1, 1], [], []>, transpose_lhs_hint = false} : vector<5000x128xbf16>, vector<128x128xbf16>, vector<5000x128xf32> -> vector<5000x128xf32>
    %get3A_21 = arith.constant 0 : index
    %get3A_22 = arith.constant 0 : index
    %get3A_23 = vector.load %arg5[%get3A_21, %get3A_22] : memref<1x128xf32, #tpu.memory_space<vmem>>, vector<1x128xf32>
    %add3A_24 = vector.broadcast %get3A_23 : vector<1x128xf32> to vector<5000x128xf32>
    %add3A_25 = arith.addf %dot_general3A_20, %add3A_24 : vector<5000x128xf32>
    %max3A = arith.constant 0.000000e+00 : f32
    %max3A_26 = vector.broadcast %max3A : f32 to vector<5000x128xf32>
    %max3A_27 = arith.maximumf %add3A_25, %max3A_26 : vector<5000x128xf32>
    %convert_element_type3A_28 = arith.truncf %max3A_27 : vector<5000x128xf32> to vector<5000x128xbf16>
    %get3A_29 = arith.constant 0 : index
    %get3A_30 = arith.constant 0 : index
    %get3A_31 = vector.load %arg6[%get3A_29, %get3A_30] : memref<128x128xf32, #tpu.memory_space<vmem>>, vector<128x128xf32>
    %convert_element_type3A_32 = arith.truncf %get3A_31 : vector<128x128xf32> to vector<128x128xbf16>
    %dot_general3A_33 = arith.constant dense<0.000000e+00> : vector<5000x128xf32>
    %dot_general3A_34 = tpu.matmul %convert_element_type3A_28, %convert_element_type3A_32, %dot_general3A_33 {dimension_numbers = #tpu.dot_dimension_numbers<[1], [0], [0], [1], [0, 0, 1, 1], [], []>, transpose_lhs_hint = false} : vector<5000x128xbf16>, vector<128x128xbf16>, vector<5000x128xf32> -> vector<5000x128xf32>
    %get3A_35 = arith.constant 0 : index
    %get3A_36 = arith.constant 0 : index
    %get3A_37 = vector.load %arg7[%get3A_35, %get3A_36] : memref<1x128xf32, #tpu.memory_space<vmem>>, vector<1x128xf32>
    %add3A_38 = vector.broadcast %get3A_37 : vector<1x128xf32> to vector<5000x128xf32>
    %add3A_39 = arith.addf %dot_general3A_34, %add3A_38 : vector<5000x128xf32>
    %max3A_40 = arith.constant 0.000000e+00 : f32
    %max3A_41 = vector.broadcast %max3A_40 : f32 to vector<5000x128xf32>
    %max3A_42 = arith.maximumf %add3A_39, %max3A_41 : vector<5000x128xf32>
    %get3A_43 = arith.constant 0 : index
    %get3A_44 = arith.constant 0 : index
    %get3A_45 = arith.constant 0 : index
    %get3A_46 = vector.load %arg8[%get3A_43, %get3A_44, %get3A_45] : memref<1x1x5000xi32, #tpu.memory_space<vmem>>, vector<1x1x5000xi32>
    %get3A_47 = vector.shape_cast %get3A_46 : vector<1x1x5000xi32> to vector<5000xi32>
    %iota3A = tpu.iota {dimensions = array<i32: 0>} : vector<64x5000xi32>
    %broadcast_in_dim3A = vector.shape_cast %get3A_47 : vector<5000xi32> to vector<1x5000xi32>
    %eq3A_48 = vector.broadcast %broadcast_in_dim3A : vector<1x5000xi32> to vector<64x5000xi32>
    %eq3A_49 = arith.cmpi eq, %eq3A_48, %iota3A : vector<64x5000xi32>
    %convert_element_type3A_50 = arith.extui %eq3A_49 : vector<64x5000xi1> to vector<64x5000xi32>
    %convert_element_type3A_51 = arith.sitofp %convert_element_type3A_50 : vector<64x5000xi32> to vector<64x5000xf32>
    %get3A_52 = arith.constant 0 : index
    %get3A_53 = arith.constant 0 : index
    %get3A_54 = vector.load %arg12[%get3A_52, %get3A_53] : memref<64x128xf32, #tpu.memory_space<vmem>>, vector<64x128xf32>
    %dot_general3A_55 = arith.constant dense<0.000000e+00> : vector<64x128xf32>
    %dot_general3A_56 = tpu.matmul %convert_element_type3A_51, %max3A_42, %dot_general3A_55 {dimension_numbers = #tpu.dot_dimension_numbers<[1], [0], [0], [1], [0, 0, 1, 1], [], []>, precision = #tpu.contract_precision<fp32>, transpose_lhs_hint = false} : vector<64x5000xf32>, vector<5000x128xf32>, vector<64x128xf32> -> vector<64x128xf32>
    %add3A_57 = arith.addf %get3A_54, %dot_general3A_56 : vector<64x128xf32>
    %swap3A = arith.constant 0 : index
    %swap3A_58 = arith.constant 0 : index
    %swap3A_59 = vector.load %arg12[%swap3A, %swap3A_58] : memref<64x128xf32, #tpu.memory_space<vmem>>, vector<64x128xf32>
    tpu.vector_store %arg12[%swap3A, %swap3A_58], %add3A_57 {strides = array<i32>} : memref<64x128xf32, #tpu.memory_space<vmem>>, vector<64x128xf32>,
    %get3A_60 = arith.constant 0 : index
    %get3A_61 = arith.constant 0 : index
    %get3A_62 = vector.load %arg13[%get3A_60, %get3A_61] : memref<64x1xf32, #tpu.memory_space<vmem>>, vector<64x1xf32>
    %reduce_sum3A = arith.constant dense<0.000000e+00> : vector<64xf32>
    %reduce_sum3A_63 = vector.multi_reduction <add>, %convert_element_type3A_51, %reduce_sum3A [1] : vector<64x5000xf32> to vector<64xf32>
    %broadcast_in_dim3A_64 = vector.shape_cast %reduce_sum3A_63 : vector<64xf32> to vector<64x1xf32>
    %add3A_65 = arith.addf %get3A_62, %broadcast_in_dim3A_64 : vector<64x1xf32>
    %swap3A_66 = arith.constant 0 : index
    %swap3A_67 = arith.constant 0 : index
    %swap3A_68 = vector.load %arg13[%swap3A_66, %swap3A_67] : memref<64x1xf32, #tpu.memory_space<vmem>>, vector<64x1xf32>
    tpu.vector_store %arg13[%swap3A_66, %swap3A_67], %add3A_65 {strides = array<i32>} : memref<64x1xf32, #tpu.memory_space<vmem>>, vector<64x1xf32>,
    %eq3A_69 = arith.constant 1 : i32
    %eq3A_70 = arith.cmpi eq, %arg0, %eq3A_69 : i32
    %convert_element_type3A_71 = arith.extui %eq3A_70 : i1 to i32
    %cond3A_72 = arith.constant 0 : i32
    %cond3A_73 = arith.cmpi ne, %convert_element_type3A_71, %cond3A_72 : i32
    scf.if %cond3A_73 {
      %get3A_74 = arith.constant 0 : index
      %get3A_75 = arith.constant 0 : index
      %get3A_76 = vector.load %arg12[%get3A_74, %get3A_75] : memref<64x128xf32, #tpu.memory_space<vmem>>, vector<64x128xf32>
      %get3A_77 = arith.constant 0 : index
      %get3A_78 = arith.constant 0 : index
      %get3A_79 = vector.load %arg13[%get3A_77, %get3A_78] : memref<64x1xf32, #tpu.memory_space<vmem>>, vector<64x1xf32>
      %max3A_80 = arith.constant 1.000000e+00 : f32
      %max3A_81 = vector.broadcast %max3A_80 : f32 to vector<64x1xf32>
      %max3A_82 = arith.maximumf %get3A_79, %max3A_81 : vector<64x1xf32>
      %div3A = vector.broadcast %max3A_82 : vector<64x1xf32> to vector<64x128xf32>
      %div3A_83 = arith.divf %get3A_76, %div3A : vector<64x128xf32>
      %convert_element_type3A_84 = arith.truncf %div3A_83 : vector<64x128xf32> to vector<64x128xbf16>
      %get3A_85 = arith.constant 0 : index
      %get3A_86 = arith.constant 0 : index
      %get3A_87 = vector.load %arg9[%get3A_85, %get3A_86] : memref<128x1xf32, #tpu.memory_space<vmem>>, vector<128x1xf32>
      %convert_element_type3A_88 = arith.truncf %get3A_87 : vector<128x1xf32> to vector<128x1xbf16>
      %dot_general3A_89 = arith.constant dense<0.000000e+00> : vector<64x1xf32>
      %dot_general3A_90 = tpu.matmul %convert_element_type3A_84, %convert_element_type3A_88, %dot_general3A_89 {dimension_numbers = #tpu.dot_dimension_numbers<[1], [0], [0], [1], [0, 0, 1, 1], [], []>, transpose_lhs_hint = false} : vector<64x128xbf16>, vector<128x1xbf16>, vector<64x1xf32> -> vector<64x1xf32>
      %get3A_91 = arith.constant 0 : index
      %get3A_92 = arith.constant 0 : index
      %get3A_93 = vector.load %arg10[%get3A_91, %get3A_92] : memref<1x1xf32, #tpu.memory_space<vmem>>, vector<1x1xf32>
      %add3A_94 = vector.broadcast %get3A_93 : vector<1x1xf32> to vector<64x1xf32>
      %add3A_95 = arith.addf %dot_general3A_90, %add3A_94 : vector<64x1xf32>
      %swap3A_96 = arith.constant 0 : index
      %swap3A_97 = arith.constant 0 : index
      %swap3A_98 = vector.load %arg11[%swap3A_96, %swap3A_97] : memref<64x1xf32, #tpu.memory_space<vmem>>, vector<64x1xf32>
      tpu.vector_store %arg11[%swap3A_96, %swap3A_97], %add3A_95 {strides = array<i32>} : memref<64x1xf32, #tpu.memory_space<vmem>>, vector<64x1xf32>,
    } else {
    }
    return
  }
  func.func @transform_0(%arg0: i32) -> (i32, i32) {
    %c0_i32 = arith.constant 0 : i32
    %c0_i32_0 = arith.constant 0 : i32
    return %arg0, %c0_i32 : i32, i32
  }
  func.func @transform_1(%arg0: i32) -> (i32, i32, i32) {
    %c0_i32 = arith.constant 0 : i32
    %c0_i32_0 = arith.constant 0 : i32
    %c0_i32_1 = arith.constant 0 : i32
    return %c0_i32, %arg0, %c0_i32_0 : i32, i32, i32
  }
  func.func @transform_2(%arg0: i32) -> (i32, i32, i32) {
    %c1_i32 = arith.constant 1 : i32
    %c0_i32 = arith.constant 0 : i32
    %c0_i32_0 = arith.constant 0 : i32
    return %c1_i32, %arg0, %c0_i32 : i32, i32, i32
  }
  func.func @transform_3(%arg0: i32) -> (i32, i32) {
    %c0_i32 = arith.constant 0 : i32
    %c0_i32_0 = arith.constant 0 : i32
    %c0_i32_1 = arith.constant 0 : i32
    return %c0_i32, %c0_i32_0 : i32, i32
  }
  func.func @transform_4(%arg0: i32) -> (i32, i32) {
    %c0_i32 = arith.constant 0 : i32
    %c0_i32_0 = arith.constant 0 : i32
    %c0_i32_1 = arith.constant 0 : i32
    return %c0_i32, %c0_i32_0 : i32, i32
  }
  func.func @transform_5(%arg0: i32) -> (i32, i32) {
    %c0_i32 = arith.constant 0 : i32
    %c0_i32_0 = arith.constant 0 : i32
    %c0_i32_1 = arith.constant 0 : i32
    return %c0_i32, %c0_i32_0 : i32, i32
  }
  func.func @transform_6(%arg0: i32) -> (i32, i32) {
    %c0_i32 = arith.constant 0 : i32
    %c0_i32_0 = arith.constant 0 : i32
    %c0_i32_1 = arith.constant 0 : i32
    return %c0_i32, %c0_i32_0 : i32, i32
  }
  func.func @transform_7(%arg0: i32) -> (i32, i32, i32) {
    %c0_i32 = arith.constant 0 : i32
    %c0_i32_0 = arith.constant 0 : i32
    %c0_i32_1 = arith.constant 0 : i32
    return %arg0, %c0_i32, %c0_i32_0 : i32, i32, i32
  }
  func.func @transform_8(%arg0: i32) -> (i32, i32) {
    %c0_i32 = arith.constant 0 : i32
    %c0_i32_0 = arith.constant 0 : i32
    %c0_i32_1 = arith.constant 0 : i32
    return %c0_i32, %c0_i32_0 : i32, i32
  }
  func.func @transform_9(%arg0: i32) -> (i32, i32) {
    %c0_i32 = arith.constant 0 : i32
    %c0_i32_0 = arith.constant 0 : i32
    %c0_i32_1 = arith.constant 0 : i32
    return %c0_i32, %c0_i32_0 : i32, i32
  }
  func.func @transform_10(%arg0: i32) -> (i32, i32) {
    %c0_i32 = arith.constant 0 : i32
    %c0_i32_0 = arith.constant 0 : i32
    %c0_i32_1 = arith.constant 0 : i32
    return %c0_i32, %c0_i32_0 : i32, i32
  }
}

</mosaic_0001>

<sc_bundles>
// kernel: kernel.6.cloned.1.call-start
scs
__scs_entry_jumppad:
0x0: {  	(pc) =	sbr.rel $0x88, $3  }
0x1: {  	(tag) =	ssettag $0x0;
	lr =	simm.s32 $0x1  }
0x2: {  	[smem:$0x3F94] =	sst lr;
	_ =	strace $0xD0000000  }
0x3: {  	_ = 	snop  }
0x4: {  	_ = 	snop  }
0x5: {  	_ = 	snop  }
0x6: {  	_ = 	snop  }
0x7: {  	_ = 	snop  }
__scs_overlays_trampoline_lowered:
0x8: {  	[smem:$0x3FA3] =	sst s0  }
0x9: {  	[smem:$0x3FA4] =	sst s1  }
0xa: {  	[smem:$0x3FA5] =	sst s2  }
0xb: {  	[smem:$0x3FA6] =	sst s3  }
0xc: {  	[smem:$0x3FA7] =	sst s4  }
0xd: {  	[smem:$0x3FA8] =	sst s5  }
0xe: {  	[smem:$0x3FA9] =	sst s6  }
0xf: {  	[smem:$0x3FAA] =	sst s7  }
0x10: {  	[smem:$0x3FAB] =	sst s8  }
0x11: {  	[smem:$0x3FAC] =	sst s9;
	s0 =	simm.s32 @!p0 $0x0  }
0x12: {  	s1 =	sld [smem:$0x3F92];
	s0 =	simm.s32 @p0 $0x1  }
0x13: {  	[smem:$0x3FAD] =	sst s0;
	s0 =	simm.s32 @!p1 $0x0  }
0x14: {  	s2 =	sld [smem:$0x3F91];
	s0 =	simm.s32 @p1 $0x1  }
0x15: {  	[smem:$0x3FAE] =	sst s0;
	s0 =	simm.s32 @!p2 $0x0  }
0x16: {  	s3 =	sld [smem:$0x3FDB];
	s0 =	simm.s32 @p2 $0x1  }
0x17: {  	s4 =	simm.s32 $0x1BF5;
	[smem:$0x3FB0] =	sst s0  }
0x18: {  	s0 =	sld [smem:$0x3F93];
	_ =	swait.ge [sflag:s4], $0x0  }
0x19: {  	s7 =	sld [smem:$0x3F94]  }
0x1a: {  	s8 =	sadd.s32 $0xFFFFE003, lr  }
0x1b: {  	s9 =	sadd.s32 $0xFFFFFEF7, lr;
	s5 =	simm.s32 $0xFFFFFFFF;
	p2 =	slt.u32 s8, $0xFFFFF086  }
0x1c: {  	p1 =	slt.u32 s9, $0xF7A;
	s5 =	simm.s32 @!p2 $0x0  }
0x1d: {  	s5 =	simm.s32 @p1 $0x1;
	p0 =	seq.s32 s7, s2  }
0x1e: {  	s7 =	smul.u32 @!p0 $0xF7A, s2;
	p2 =	seq.s32 @!p0 s5, $0x0  }
0x1f: {  	s9 =	smul.u32 $0xF7A, s1;
	s8 =	simm.s32 @!p0 $0x1BF5;
	p2 =	por !p2, p0  }
0x20: {  	[sflag:s8] =	ssyncset.s32 @!p0 $0xFFFFF086;
	s6 =	sadd.s32 @!p0 s3, s7;
	s7 =	simm.s32 @!p0 $0x108  }
0x21: {  	s3 =	sadd.s32 s3, s9;
	s6 =	sadd.s32 @!p0 $0x88, s6;
	s7 =	simm.s32 @p2 $0x1082  }
0x22: {  	[simem:s7], [sflag:s8] =	dma.local @!p0 [hbm:s6], $0xF7A  }
0x23: {  	s9 =	sor.u32 $0xD0000000, s2;
	s6 =	simm.s32 $0x108;
	_ =	swait.ge @!p0 [sflag:s8], $0x0  }
0x24: {  	s3 =	sadd.s32 $0x88, s3;
	s6 =	simm.s32 @!p1 $0x1082;
	[sflag:s4] =	ssyncset.s32 $0xFFFFF086  }
0x25: {  	[simem:s6], [sflag:s4] =	dma.local [hbm:s3], $0xF7A  }
0x26: {  	[smem:$0x3F94] =	sst s1;
	(tag) =	ssettag s2;
	_ =	strace s9  }
0x27: {  	s1 =	sld [smem:$0x3FA4]  }
0x28: {  	s2 =	sld [smem:$0x3FA5]  }
0x29: {  	s4 =	sld [smem:$0x3FA7]  }
0x2a: {  	p0 =	seq.s32 s5, $0x0;
	s5 =	sld [smem:$0x3FA8]  }
0x2b: {  	s6 =	sld [smem:$0x3FA9]  }
0x2c: {  	s7 =	sld [smem:$0x3FAA]  }
0x2d: {  	s3 =	simm.s32 $0x108;
	s8 =	sld [smem:$0x3FAB]  }
0x2e: {  	s3 =	simm.s32 @!p0 $0x1082;
	s9 =	sld [smem:$0x3FAC]  }
0x2f: {  	lr =	sadd.s32 s0, s3;
	s0 =	sld [smem:$0x3FA3]  }
0x30: {  	s3 =	sld [smem:$0x3FA6]  }
0x31: {  	[smem:$0x3FAF] =	sst s10  }
0x32: {  	s10 =	sld [smem:$0x3FAD];
	_ =	sdelay $0x3  }
0x33: {  	p0 =	seq.s32 s10, $0x1;
	s10 =	sld [smem:$0x3FAF];
	_ =	sdelay $0x3  }
0x34: {  	[smem:$0x3FAF] =	sst s10  }
0x35: {  	s10 =	sld [smem:$0x3FAE];
	_ =	sdelay $0x3  }
0x36: {  	p1 =	seq.s32 s10, $0x1;
	s10 =	sld [smem:$0x3FAF];
	_ =	sdelay $0x3  }
0x37: {  	[smem:$0x3FAF] =	sst s10  }
0x38: {  	s10 =	sld [smem:$0x3FB0]  }
0x39: {  	_ = 	snop;
	(pc) =	sbr.ind lr, $3  }
0x3a: {  	_ = 	snop  }
0x3b: {  	_ = 	snop  }
0x3c: {  	p2 =	seq.s32 s10, $0x1;
	s10 =	sld [smem:$0x3FAF]  }
0x3d: {  	_ =	shalt  }
0x3e: {  	_ =	shalt  }
0x3f: {  	_ =	shalt  }
0x40: {  	_ =	shalt  }
0x41: {  	_ =	shalt  }
0x42: {  	_ =	shalt  }
0x43: {  	_ =	shalt  }
0x44: {  	_ =	shalt  }
0x45: {  	_ =	shalt  }
0x46: {  	_ =	shalt  }
0x47: {  	_ =	shalt  }
0x48: {  	_ =	shalt  }
0x49: {  	_ =	shalt  }
0x4a: {  	_ =	shalt  }
0x4b: {  	_ =	shalt  }
0x4c: {  	_ =	shalt  }
0x4d: {  	_ =	shalt  }
0x4e: {  	_ =	shalt  }
0x4f: {  	_ =	shalt  }
0x50: {  	_ =	shalt  }
0x51: {  	_ =	shalt  }
0x52: {  	_ =	shalt  }
0x53: {  	_ =	shalt  }
0x54: {  	_ =	shalt  }
0x55: {  	_ =	shalt  }
0x56: {  	_ =	shalt  }
0x57: {  	_ =	shalt  }
0x58: {  	_ =	shalt  }
0x59: {  	_ =	shalt  }
0x5a: {  	_ =	shalt  }
0x5b: {  	_ =	shalt  }
0x5c: {  	_ =	shalt  }
0x5d: {  	_ =	shalt  }
0x5e: {  	_ =	shalt  }
0x5f: {  	_ =	shalt  }
0x60: {  	_ =	shalt  }
0x61: {  	_ =	shalt  }
0x62: {  	_ =	shalt  }
0x63: {  	_ =	shalt  }
0x64: {  	_ =	shalt  }
0x65: {  	_ =	shalt  }
0x66: {  	_ =	shalt  }
0x67: {  	_ =	shalt  }
0x68: {  	_ =	shalt  }
0x69: {  	_ =	shalt  }
0x6a: {  	_ =	shalt  }
0x6b: {  	_ =	shalt  }
0x6c: {  	_ =	shalt  }
0x6d: {  	_ =	shalt  }
0x6e: {  	_ =	shalt  }
0x6f: {  	_ =	shalt  }
0x70: {  	_ =	shalt  }
0x71: {  	_ =	shalt  }
0x72: {  	_ =	shalt  }
0x73: {  	_ =	shalt  }
0x74: {  	_ =	shalt  }
0x75: {  	_ =	shalt  }
0x76: {  	_ =	shalt  }
0x77: {  	_ =	shalt  }
0x78: {  	_ =	shalt  }
0x79: {  	_ =	shalt  }
0x7a: {  	_ =	shalt  }
0x7b: {  	_ =	shalt  }
0x7c: {  	_ =	shalt  }
0x7d: {  	_ =	shalt  }
0x7e: {  	_ =	shalt  }
0x7f: {  	_ =	shalt  }
0x80: {  	_ =	shalt  }
0x81: {  	_ =	shalt  }
0x82: {  	_ =	shalt  }
0x83: {  	_ =	shalt  }
0x84: {  	_ =	shalt  }
0x85: {  	_ =	shalt  }
0x86: {  	_ =	shalt  }
0x87: {  	_ =	shalt  }
.Lfunc_end0:
.L_simem_size_0:
called_computation_lowered:
.L_overlay_start_0:
0x88: {  	s2 =	sld [smem:$0x3FD9]  }
0x89: {  	s3 =	sld [smem:$0x3FFE];
	_ =	sdelay $0x1  }
0x8a: {  	s1 =	srdreg.scid  }
0x8b: {  	s0 =	sand.u32 $0x1, s1  }
0x8c: {  	s17 =	sshll.u32 s0, $0xA;
	s2 =	sadd.s32 s3, s2  }
0x8d: {  	s2 =	sadd.s32 s2, s17  }
0x8e: {  	[smem:$0x3FBB] =	sst s2  }
0x8f: {  	_ = 	snop  }
0x90: {  	s2 =	sld [smem:$0x3FC9];
	(tm) =	ssettm $0x1  }
0x91: {  	s18 =	sld [smem:$0x3FFB];
	_ =	sdelay $0x3  }
0x92: {  	_ =	strace s18  }
0x93: {  	s3 =	sld [smem:$0x3FFC];
	_ =	sdelay $0x3  }
0x94: {  	_ =	strace s3  }
0x95: {  	s3 =	sld [smem:$0x3FFD];
	_ =	sdelay $0x3  }
0x96: {  	_ =	strace s3  }
0x97: {  	_ =	strace $0x8FFFFFFF  }
0x98: {  	s19 =	sld [smem:$0x3FDB];
	_ =	sdelay $0x1  }
0x99: {  	s4 =	simm.s32 $_scs_section_size  }
0x9a: {  	s5 =	simm.s32 $_size__tile_overlayer_lowered;
	s6 =	simm.s32 $_tile_overlayer_lowered  }
0x9b: {  	s22 =	simm.s32 $0x1BFF;
	s21 =	sshll.u32 s6, $0x1;
	s3 =	sadd.s32 s4, s19  }
0x9c: {  	s7 =	simm.s32 $0x0;
	s20 =	sshll.u32 s5, $0x1;
	s5 =	sadd.s32 s21, s3  }
0x9d: {  	[timem:s7], [sflag:s22] =	dma.local [hbm:s5], s20  }
0x9e: {  	_ =	swait.ge [sflag:s22], s20  }
0x9f: {  	s4 =	ssub.s32 $0x0, s20;
	[sflag:s22] =	ssyncset.done $0x0  }
0xa0: {  	[sflag:s22] =	ssyncadd.s32 s4;
	_ =	sdelay $0x1  }
0xa1: {  	s23 =	simm.s32 $0x1B8B  }
0xa2: {  	_ =	swait.ge [sflag:s23], $0x1  }
0xa3: {  	[sflag:s23] =	ssyncset.done $0x0  }
0xa4: {  	s25 =	simm.s32 $0x1B8E;
	s24 =	sld [smem:$0x3FFE];
	[sflag:s23] =	ssyncadd.s32 $0xFFFFFFFF  }
0xa5: {  	s26 =	simm.s32 $execute0_lowered;
	[smem:$0x3FD2] =	sst s25  }
0xa6: {  	s5 =	sshll.u32 s26, $0x1;
	_ =	strace $0x80000046;
	[dreg:$0x1] =	wrdreg $0xFFFFFFFF  }
0xa7: {  	s28 =	simm.s32 $_size_execute0_lowered;
	s3 =	sadd.s32 s3, s5;
	[dreg:$0x0] =	wrdreg $0x0  }
0xa8: {  	s5 =	sshll.u32 s28, $0x1;
	[dreg:$0x2] =	wrdreg s3  }
0xa9: {  	[dreg:$0x3] =	wrdreg s5  }
0xaa: {  	[dreg:$0x4] =	wrdreg $0xC0  }
0xab: {  	_ =	task [dreg:s7], $0x5FFFF  }
0xac: {  	[dreg:$0x1] =	wrdreg $0xFFFFFFFF  }
0xad: {  	[dreg:$0x0] =	wrdreg $0x60  }
0xae: {  	[dreg:$0x2] =	wrdreg s2  }
0xaf: {  	[dreg:$0x3] =	wrdreg s24  }
0xb0: {  	[dreg:$0x4] =	wrdreg $0xBC000  }
0xb1: {  	[dreg:$0x5] =	wrdreg $0x9  }
0xb2: {  	_ =	task.clear_ibuf [dreg:s7], $0x6FFFF;
	_ =	strace $0x90000046  }
0xb3: {  	s29 =	simm.s32 $0x9;
	_ =	strace $0x80000048  }
0xb4: {  	_ =	swait.ge [sflag:s29], $0x1  }
0xb5: {  	[sflag:s29] =	ssyncadd.s32 $0xFFFFFFFF  }
0xb6: {  	_ =	strace $0x90000048  }
0xb7: {  	_ =	sfence  }
0xb8: {  	s30 =	sld [smem:$0x0];
	_ =	sdelay $0x2  }
0xb9: {  	s31 =	sshll.u32 s1, $0xD;
	s1 =	sshrl.u32 s1, $0x2  }
0xba: {  	s3 =	sand.u32 $0x4000, s31;
	s1 =	sadd.s32 s1, s30  }
0xbb: {  	s0 =	sor.u32 s3, s0;
	s1 =	sshll.u32 s1, $0x11  }
0xbc: {  	s0 =	sor.u32 s1, s0  }
0xbd: {  	s0 =	sadd.s32 $0x8F2B, s0  }
0xbe: {  	[sflag:s0] =	ssyncadd.remote.s32 $0x1  }
0xbf: {  	_ =	sfence.sel $0xFFFF  }
0xc0: {  	[dreg:$0x0] =	wrdreg $0xFFFFFFFF;
	(pc) =	sbr.abs _section_cstart, $3  }
0xc1: {  	[dreg:$0x1] =	wrdreg $0xFFFFFFFF  }
0xc2: {  	_ =	task.clear_ibuf [dreg:s7], $0x2FFFF;
	_ =	strace $0x9FFFFFFF  }
0xc3: {  	(tm) =	ssettm $0x7FFFFFFF  }
tec
execute0_lowered:
.L_overlay_start_1:
0x0: {  	(tag) =	ssettag $0x1  }
0x1: {  	s1 =	rddreg [dreg:$0x0]  }
0x2: {  	s5 =	rddreg [dreg:$0x1]  }
0x3: {  	s2 =	rddreg [dreg:$0x2]  }
0x4: {  	s3 =	srdreg.scid;
	s0 =	rddreg [dreg:$0x3]  }
0x5: {  	s4 =	simm.s32 $0x0;
	s15 =	simm.s32 $0x2800;
	s16 =	simm.s32 $0x6800  }
0x6: {  	s17 =	simm.s32 $0x1;
	s18 =	simm.s32 $0x2;
	s19 =	simm.s32 $0x1380  }
0x7: {  	s20 =	simm.s32 $0x2700;
	s21 =	simm.s32 $0x2780;
	s6 =	sand.u32 $0x1, s3  }
0x8: {  	s23 =	simm.s32 $0x0;
	s3 =	stileid.u32;
	s7 =	smul.u32 $0x138800, s6  }
0x9: {  	[smem:$0x7FF] =	sst s4;
	s10 =	sadd.s32 $0x2000, s5;
	s8 =	smul.u32 $0x1F400, s3  }
0xa: {  	s26 =	sadd.s32 $0xC000, s5;
	s9 =	sshll.u32 s6, $0x4;
	s13 =	smul.u32 $0x7D000, s3  }
0xb: {  	_ =	strace $0x80000047;
	s6 =	ssub.s32 $0x2, s6;
	s14 =	smul.u32 $0x5000, s3  }
0xc: {  	p0 =	sgt.u32 s3, $0x9;
	s9 =	sor.u32 s3, s9;
	s28 =	sshrl.u32 s6, $0x1  }
0xd: {  	s7 =	sadd.s32 s8, s7;
	s25 =	smul.u32 $0x2800, s9;
	s12 =	ssub.s32 s6, s28  }
0xe: {  	s30 =	sshrl.u32 s13, $0x2;
	s31 =	sshrl.u32 s14, $0x2;
	s13 =	simm.s32 $0x1400  }
0xf: {  	s14 =	simm.s32 $0x80;
	s7 =	sshrl.u32 s7, $0x3;
	s22 =	sadd.s32 s30, s2  }
0x10: {  	s11 =	sadd.s32 s7, s5;
	s29 =	sshrl.u32 s25, $0x3;
	s22 =	sshrl.u32 @!p0 s22, $0x3  }
0x11: {  	s5 =	sadd.s32 s10, s29;
	s6 =	sadd.s32 s26, s29;
	s8 =	sadd.s32 $0x280, s29  }
0x12: {  	s9 =	sadd.s32 $0x16000, s11;
	s11 =	sadd.s32 s31, s2;
	s7 =	sadd.s32 s10, s8  }
0x13: {  	v0 =	vimm.f32 $0.0e+00;
	s8 =	sadd.s32 s26, s8;
	s10 =	smax.u32 s12, $0x1;
	s12 =	simm.s32 $0x3  }
.LBB2_1:
0x14: {  	[tilespmem:s4], [sflag:$0x3] =	stream.linear.gather [hbm4b:s5+s4], $0x1400, $0x38;
	[tilespmem:$0x1F880] =	vst v63  }
0x15: {  	_ =	swait.ge [sflag:s12], $0x1400  }
0x16: {  	[sflag:s12] =	ssyncset.done $0x0  }
0x17: {  	[sflag:s12] =	ssyncadd.s32 $0xFFFFEC00  }
0x18: {  	[tilespmem:s13], [sflag:$0x3] =	stream.linear.gather [hbm4b:s6+s4], $0x1400, $0x38;
	[tilespmem:$0x1F880] =	vst v63  }
0x19: {  	_ =	swait.ge [sflag:s12], $0x1400  }
0x1a: {  	[sflag:s12] =	ssyncset.done $0x0  }
0x1b: {  	s24 =	simm.s32 $0x70;
	s25 =	simm.s32 $0x3C0;
	[sflag:s12] =	ssyncadd.s32 $0xFFFFEC00  }
0x1c: {  	[tilespmem:s15], [sflag:$0x1] =	stream.indirect.gather [hbm4b:s1+s14], $0x80, s4, s14, $0xb8;
	[tilespmem:$0x1F880] =	vst v63  }
.LBB2_2:
0x1d: {  	p1 =	sne.s32 s25, $0x4FC0;
	[tilespmem:s24+$0xA800] =	vst v0  }
0x1e: {  	[tilespmem:s24+$0xA790] =	vst v0  }
0x1f: {  	[tilespmem:s24+$0xA7A0] =	vst v0  }
.Ltmp0:
0x20: {  	[tilespmem:s24+$0xA7B0] =	vst v0;
	(pc) =	sbr.rel @p1 .LBB2_2-.Ltmp0, $4  }
0x21: {  	[tilespmem:s24+$0xA7C0] =	vst v0  }
0x22: {  	[tilespmem:s24+$0xA7D0] =	vst v0  }
0x23: {  	[tilespmem:s24+$0xA7E0] =	vst v0  }
0x24: {  	[tilespmem:s24+$0xA7F0] =	vst v0;
	s24 =	sshra.s32 s25, $0x2;
	s25 =	sadd.s32 $0x200, s25  }
0x25: {  	[tilespmem:s24+$0xA800] =	vst v0  }
0x26: {  	[tilespmem:s24+$0xA790] =	vst v0  }
0x27: {  	[tilespmem:s24+$0xA7A0] =	vst v0  }
0x28: {  	[tilespmem:s24+$0xA7B0] =	vst v0  }
0x29: {  	[tilespmem:s24+$0xA7C0] =	vst v0  }
0x2a: {  	[tilespmem:s24+$0xA7D0] =	vst v0;
	s25 =	sadd.s32 $0x0, s3  }
0x2b: {  	[tilespmem:s24+$0xA7E0] =	vst v0;
	p1 =	sgt.u32 s25, $0xF9  }
0x2c: {  	[tilespmem:s24+$0xA7F0] =	vst v0;
	s24 =	simm.s32 @!p1 $0xA800;
	s28 =	simm.s32 @!p1 $0x3  }
0x2d: {  	[spmem:s11] =	stream.linear.scatter @!p1 [tilespmem:s24], [sflag:$0x3], $0x1400, $0x38;
	[tilespmem:$0x1F880] =	vst v63  }
0x2e: {  	s26 =	simm.s32 $0x20;
	_ =	swait.ge @!p1 [sflag:s28], $0x1400  }
0x2f: {  	s25 =	simm.s32 $0x10;
	s24 =	sadd.s32 $0x14000, s11;
	[sflag:s28] =	ssyncset.done @!p1 $0x0  }
.LBB2_4:
0x30: {  	s29 =	sadd.s32 s25, s3;
	s25 =	smov.u32 s26;
	s26 =	sadd.s32 $0x10, s26  }
0x31: {  	[sflag:s28] =	ssyncadd.s32 @!p1 $0xFFFFEC00;
	p2 =	sne.s32 s26, $0x100  }
.Ltmp1:
0x32: {  	p1 =	sgt.u32 s29, $0xF9;
	(pc) =	sbr.rel @p2 .LBB2_4-.Ltmp1, $4  }
0x33: {  	s29 =	simm.s32 @!p1 $0xA800;
	s28 =	simm.s32 @!p1 $0x3  }
0x34: {  	[spmem:s24] =	stream.linear.scatter @!p1 [tilespmem:s29], [sflag:$0x3], $0x1400, $0x38;
	[tilespmem:$0x1F880] =	vst v63  }
0x35: {  	_ =	swait.ge @!p1 [sflag:s28], $0x1400  }
0x36: {  	s24 =	sadd.s32 $0x14000, s24;
	[sflag:s28] =	ssyncset.done @!p1 $0x0  }
0x37: {  	s25 =	sadd.s32 s25, s3  }
0x38: {  	p2 =	sgt.u32 s25, $0xF9  }
0x39: {  	[sflag:s28] =	ssyncadd.s32 @!p1 $0xFFFFEC00;
	s25 =	simm.s32 @!p2 $0xA800;
	s26 =	simm.s32 @!p2 $0x3  }
0x3a: {  	[spmem:s24] =	stream.linear.scatter @!p2 [tilespmem:s25], [sflag:$0x3], $0x1400, $0x38;
	[tilespmem:$0x1F880] =	vst v63  }
0x3b: {  	_ =	swait.ge @!p2 [sflag:s26], $0x1400  }
0x3c: {  	[sflag:s26] =	ssyncset.done @!p2 $0x0  }
0x3d: {  	[sflag:s26] =	ssyncadd.s32 @!p2 $0xFFFFEC00  }
0x3e: {  	s28 =	simm.s32 $0x80;
	[bflag:$0x0] =	sbarrier.arrive $0xFFFF  }
0x3f: {  	[tilespmem:s16], [sflag:$0x2] =	stream.indirect.gather [hbm4b:s1+s14], $0x80, s28, s14, $0xb8;
	[tilespmem:$0x1F880] =	vst v63  }
0x40: {  	_ =	swait.ge [sflag:s17], $0x4000  }
0x41: {  	[sflag:s17] =	ssyncset.done $0x0  }
0x42: {  	s29 =	simm.s32 $0x1400;
	[sflag:s17] =	ssyncadd.s32 $0xFFFFC000  }
0x43: {  	[spmem:s2] =	stream.indirect.scatter.add.f32 [tilespmem:s15], [sflag:$0x3], $0x80, s29, s14, $0xb8;
	[tilespmem:$0x1F880] =	vst v63  }
0x44: {  	_ =	swait.ge [sflag:s12], $0x4000  }
0x45: {  	[sflag:s12] =	ssyncset.done $0x0  }
0x46: {  	s30 =	simm.s32 $0x100;
	[sflag:s12] =	ssyncadd.s32 $0xFFFFC000  }
0x47: {  	[tilespmem:s15], [sflag:$0x1] =	stream.indirect.gather [hbm4b:s1+s14], $0x80, s30, s14, $0xb8;
	[tilespmem:$0x1F880] =	vst v63  }
0x48: {  	_ =	swait.ge [sflag:s18], $0x4000  }
0x49: {  	[sflag:s18] =	ssyncset.done $0x0  }
0x4a: {  	s31 =	simm.s32 $0x1480;
	[sflag:s18] =	ssyncadd.s32 $0xFFFFC000  }
0x4b: {  	[spmem:s2] =	stream.indirect.scatter.add.f32 [tilespmem:s16], [sflag:$0x3], $0x80, s31, s14, $0xb8;
	[tilespmem:$0x1F880] =	vst v63  }
0x4c: {  	_ =	swait.ge [sflag:s12], $0x4000  }
0x4d: {  	s25 =	simm.s32 $0x800;
	s24 =	simm.s32 $0x100;
	[sflag:s12] =	ssyncset.done $0x0  }
.LBB2_6:
0x4e: {  	s26 =	sadd.s32 $0x80, s24  }
0x4f: {  	[sflag:s12] =	ssyncadd.s32 $0xFFFFC000;
	s28 =	smov.u32 s25;
	s29 =	sadd.s32 $0x400, s25  }
0x50: {  	[tilespmem:s16], [sflag:$0x2] =	stream.indirect.gather [hbm4b:s1+s14], $0x80, s26, s14, $0xb8;
	[tilespmem:$0x1F880] =	vst v63  }
0x51: {  	p1 =	sne.s32 s25, $0x4800;
	_ =	swait.ge [sflag:s17], $0x4000  }
0x52: {  	[sflag:s17] =	ssyncset.done $0x0  }
0x53: {  	s25 =	sadd.s32 $0x1400, s24;
	[sflag:s17] =	ssyncadd.s32 $0xFFFFC000  }
0x54: {  	[spmem:s2] =	stream.indirect.scatter.add.f32 [tilespmem:s15], [sflag:$0x3], $0x80, s25, s14, $0xb8;
	[tilespmem:$0x1F880] =	vst v63  }
0x55: {  	_ =	swait.ge [sflag:s12], $0x4000  }
0x56: {  	[sflag:s12] =	ssyncset.done $0x0  }
0x57: {  	s25 =	sadd.s32 $0x100, s24;
	[sflag:s12] =	ssyncadd.s32 $0xFFFFC000  }
0x58: {  	[tilespmem:s15], [sflag:$0x1] =	stream.indirect.gather [hbm4b:s1+s14], $0x80, s25, s14, $0xb8;
	[tilespmem:$0x1F880] =	vst v63  }
0x59: {  	_ =	swait.ge [sflag:s18], $0x4000  }
.Ltmp2:
0x5a: {  	[sflag:s18] =	ssyncset.done $0x0;
	(pc) =	sbr.rel @p1 .LBB2_6-.Ltmp2, $4  }
0x5b: {  	s24 =	sadd.s32 $0x1480, s24;
	[sflag:s18] =	ssyncadd.s32 $0xFFFFC000  }
0x5c: {  	[spmem:s2] =	stream.indirect.scatter.add.f32 [tilespmem:s16], [sflag:$0x3], $0x80, s24, s14, $0xb8;
	[tilespmem:$0x1F880] =	vst v63  }
0x5d: {  	_ =	swait.ge [sflag:s12], $0x4000  }
0x5e: {  	s25 =	smov.u32 s29;
	s24 =	sshra.s32 s28, $0x2;
	[sflag:s12] =	ssyncset.done $0x0  }
0x5f: {  	s25 =	sadd.s32 $0x80, s24;
	[sflag:s12] =	ssyncadd.s32 $0xFFFFC000  }
0x60: {  	[tilespmem:s16], [sflag:$0x2] =	stream.indirect.gather [hbm4b:s1+s14], $0x80, s25, s14, $0xb8;
	[tilespmem:$0x1F880] =	vst v63  }
0x61: {  	_ =	swait.ge [sflag:s17], $0x4000  }
0x62: {  	[sflag:s17] =	ssyncset.done $0x0  }
0x63: {  	s30 =	sadd.s32 $0x1400, s24;
	[sflag:s17] =	ssyncadd.s32 $0xFFFFC000  }
0x64: {  	[spmem:s2] =	stream.indirect.scatter.add.f32 [tilespmem:s15], [sflag:$0x3], $0x80, s30, s14, $0xb8;
	[tilespmem:$0x1F880] =	vst v63  }
0x65: {  	_ =	swait.ge [sflag:s12], $0x4000  }
0x66: {  	[sflag:s12] =	ssyncset.done $0x0  }
0x67: {  	s31 =	sadd.s32 $0x100, s24;
	[sflag:s12] =	ssyncadd.s32 $0xFFFFC000  }
0x68: {  	[tilespmem:s15], [sflag:$0x1] =	stream.indirect.gather [hbm4b:s1+s14], $0x80, s31, s14, $0xb8;
	[tilespmem:$0x1F880] =	vst v63  }
0x69: {  	_ =	swait.ge [sflag:s18], $0x4000  }
0x6a: {  	[sflag:s18] =	ssyncset.done $0x0  }
0x6b: {  	s25 =	sadd.s32 $0x1480, s24;
	[sflag:s18] =	ssyncadd.s32 $0xFFFFC000  }
0x6c: {  	[spmem:s2] =	stream.indirect.scatter.add.f32 [tilespmem:s16], [sflag:$0x3], $0x80, s25, s14, $0xb8;
	[tilespmem:$0x1F880] =	vst v63  }
0x6d: {  	_ =	swait.ge [sflag:s12], $0x4000  }
0x6e: {  	[sflag:s12] =	ssyncset.done $0x0  }
0x6f: {  	[sflag:s12] =	ssyncadd.s32 $0xFFFFC000  }
0x70: {  	[tilespmem:s16], [sflag:$0x2] =	stream.indirect.gather [hbm4b:s1+s14], $0x80, s19, s14, $0xb8;
	[tilespmem:$0x1F880] =	vst v63  }
0x71: {  	_ =	swait.ge [sflag:s17], $0x4000  }
0x72: {  	[sflag:s17] =	ssyncset.done $0x0  }
0x73: {  	[sflag:s17] =	ssyncadd.s32 $0xFFFFC000  }
0x74: {  	[spmem:s2] =	stream.indirect.scatter.add.f32 [tilespmem:s15], [sflag:$0x3], $0x80, s20, s14, $0xb8;
	[tilespmem:$0x1F880] =	vst v63  }
0x75: {  	_ =	swait.ge [sflag:s12], $0x4000  }
0x76: {  	[sflag:s12] =	ssyncset.done $0x0  }
0x77: {  	[sflag:s12] =	ssyncadd.s32 $0xFFFFC000  }
0x78: {  	_ =	swait.ge [sflag:s18], $0x4000  }
0x79: {  	[sflag:s18] =	ssyncset.done $0x0  }
0x7a: {  	[sflag:s18] =	ssyncadd.s32 $0xFFFFC000  }
0x7b: {  	[spmem:s2] =	stream.indirect.scatter.add.f32 [tilespmem:s16], [sflag:$0x3], $0x80, s21, s14, $0xb8;
	[tilespmem:$0x1F880] =	vst v63  }
0x7c: {  	_ =	swait.ge [sflag:s12], $0x4000  }
0x7d: {  	[sflag:s12] =	ssyncset.done $0x0  }
0x7e: {  	s26 =	simm.s32 $0x0;
	[sflag:s12] =	ssyncadd.s32 $0xFFFFC000  }
0x7f: {  	[tilespmem:s26], [sflag:$0x3] =	stream.linear.gather [hbm4b:s7+s26], $0x1400, $0x38;
	[tilespmem:$0x1F880] =	vst v63  }
0x80: {  	_ =	swait.ge [sflag:s12], $0x1400  }
0x81: {  	[sflag:s12] =	ssyncset.done $0x0  }
0x82: {  	[sflag:s12] =	ssyncadd.s32 $0xFFFFEC00  }
0x83: {  	[tilespmem:s13], [sflag:$0x3] =	stream.linear.gather [hbm4b:s8+s26], $0x1400, $0x38;
	[tilespmem:$0x1F880] =	vst v63  }
0x84: {  	_ =	swait.ge [sflag:s12], $0x1400  }
0x85: {  	[sflag:s12] =	ssyncset.done $0x0  }
0x86: {  	[sflag:s12] =	ssyncadd.s32 $0xFFFFEC00  }
0x87: {  	[tilespmem:s15], [sflag:$0x1] =	stream.indirect.gather [hbm4b:s1+s14], $0x80, s26, s14, $0xb8;
	[tilespmem:$0x1F880] =	vst v63  }
0x88: {  	s28 =	simm.s32 $0x80  }
0x89: {  	[tilespmem:s16], [sflag:$0x2] =	stream.indirect.gather [hbm4b:s1+s14], $0x80, s28, s14, $0xb8;
	[tilespmem:$0x1F880] =	vst v63  }
0x8a: {  	_ =	swait.ge [sflag:s17], $0x4000  }
0x8b: {  	[sflag:s17] =	ssyncset.done $0x0  }
0x8c: {  	s29 =	simm.s32 $0x1400;
	[sflag:s17] =	ssyncadd.s32 $0xFFFFC000  }
0x8d: {  	[spmem:s2] =	stream.indirect.scatter.add.f32 [tilespmem:s15], [sflag:$0x3], $0x80, s29, s14, $0xb8;
	[tilespmem:$0x1F880] =	vst v63  }
0x8e: {  	_ =	swait.ge [sflag:s12], $0x4000  }
0x8f: {  	[sflag:s12] =	ssyncset.done $0x0  }
0x90: {  	s30 =	simm.s32 $0x100;
	[sflag:s12] =	ssyncadd.s32 $0xFFFFC000  }
0x91: {  	[tilespmem:s15], [sflag:$0x1] =	stream.indirect.gather [hbm4b:s1+s14], $0x80, s30, s14, $0xb8;
	[tilespmem:$0x1F880] =	vst v63  }
0x92: {  	_ =	swait.ge [sflag:s18], $0x4000  }
0x93: {  	[sflag:s18] =	ssyncset.done $0x0  }
0x94: {  	s31 =	simm.s32 $0x1480;
	[sflag:s18] =	ssyncadd.s32 $0xFFFFC000  }
0x95: {  	[spmem:s2] =	stream.indirect.scatter.add.f32 [tilespmem:s16], [sflag:$0x3], $0x80, s31, s14, $0xb8;
	[tilespmem:$0x1F880] =	vst v63  }
0x96: {  	_ =	swait.ge [sflag:s12], $0x4000  }
0x97: {  	s24 =	simm.s32 $0x100;
	s25 =	simm.s32 $0x800;
	[sflag:s12] =	ssyncset.done $0x0  }
.LBB2_8:
0x98: {  	s26 =	sadd.s32 $0x80, s24  }
0x99: {  	[sflag:s12] =	ssyncadd.s32 $0xFFFFC000;
	s28 =	smov.u32 s25;
	s29 =	sadd.s32 $0x400, s25  }
0x9a: {  	[tilespmem:s16], [sflag:$0x2] =	stream.indirect.gather [hbm4b:s1+s14], $0x80, s26, s14, $0xb8;
	[tilespmem:$0x1F880] =	vst v63  }
0x9b: {  	p1 =	sne.s32 s25, $0x4800;
	_ =	swait.ge [sflag:s17], $0x4000  }
0x9c: {  	[sflag:s17] =	ssyncset.done $0x0  }
0x9d: {  	s25 =	sadd.s32 $0x1400, s24;
	[sflag:s17] =	ssyncadd.s32 $0xFFFFC000  }
0x9e: {  	[spmem:s2] =	stream.indirect.scatter.add.f32 [tilespmem:s15], [sflag:$0x3], $0x80, s25, s14, $0xb8;
	[tilespmem:$0x1F880] =	vst v63  }
0x9f: {  	_ =	swait.ge [sflag:s12], $0x4000  }
0xa0: {  	[sflag:s12] =	ssyncset.done $0x0  }
0xa1: {  	s25 =	sadd.s32 $0x100, s24;
	[sflag:s12] =	ssyncadd.s32 $0xFFFFC000  }
0xa2: {  	[tilespmem:s15], [sflag:$0x1] =	stream.indirect.gather [hbm4b:s1+s14], $0x80, s25, s14, $0xb8;
	[tilespmem:$0x1F880] =	vst v63  }
0xa3: {  	_ =	swait.ge [sflag:s18], $0x4000  }
.Ltmp3:
0xa4: {  	[sflag:s18] =	ssyncset.done $0x0;
	(pc) =	sbr.rel @p1 .LBB2_8-.Ltmp3, $4  }
0xa5: {  	s24 =	sadd.s32 $0x1480, s24;
	[sflag:s18] =	ssyncadd.s32 $0xFFFFC000  }
0xa6: {  	[spmem:s2] =	stream.indirect.scatter.add.f32 [tilespmem:s16], [sflag:$0x3], $0x80, s24, s14, $0xb8;
	[tilespmem:$0x1F880] =	vst v63  }
0xa7: {  	_ =	swait.ge [sflag:s12], $0x4000  }
0xa8: {  	s25 =	smov.u32 s29;
	s24 =	sshra.s32 s28, $0x2;
	[sflag:s12] =	ssyncset.done $0x0  }
0xa9: {  	s25 =	sadd.s32 $0x80, s24;
	[sflag:s12] =	ssyncadd.s32 $0xFFFFC000  }
0xaa: {  	[tilespmem:s16], [sflag:$0x2] =	stream.indirect.gather [hbm4b:s1+s14], $0x80, s25, s14, $0xb8;
	[tilespmem:$0x1F880] =	vst v63  }
0xab: {  	_ =	swait.ge [sflag:s17], $0x4000  }
0xac: {  	[sflag:s17] =	ssyncset.done $0x0  }
0xad: {  	s29 =	sadd.s32 $0x1400, s24;
	[sflag:s17] =	ssyncadd.s32 $0xFFFFC000  }
0xae: {  	[spmem:s2] =	stream.indirect.scatter.add.f32 [tilespmem:s15], [sflag:$0x3], $0x80, s29, s14, $0xb8;
	[tilespmem:$0x1F880] =	vst v63  }
0xaf: {  	_ =	swait.ge [sflag:s12], $0x4000  }
0xb0: {  	[sflag:s12] =	ssyncset.done $0x0  }
0xb1: {  	s30 =	sadd.s32 $0x100, s24;
	[sflag:s12] =	ssyncadd.s32 $0xFFFFC000  }
0xb2: {  	[tilespmem:s15], [sflag:$0x1] =	stream.indirect.gather [hbm4b:s1+s14], $0x80, s30, s14, $0xb8;
	[tilespmem:$0x1F880] =	vst v63  }
0xb3: {  	_ =	swait.ge [sflag:s18], $0x4000  }
0xb4: {  	[sflag:s18] =	ssyncset.done $0x0  }
0xb5: {  	s31 =	sadd.s32 $0x1480, s24;
	[sflag:s18] =	ssyncadd.s32 $0xFFFFC000  }
0xb6: {  	[spmem:s2] =	stream.indirect.scatter.add.f32 [tilespmem:s16], [sflag:$0x3], $0x80, s31, s14, $0xb8;
	[tilespmem:$0x1F880] =	vst v63  }
0xb7: {  	_ =	swait.ge [sflag:s12], $0x4000  }
0xb8: {  	[sflag:s12] =	ssyncset.done $0x0  }
0xb9: {  	[sflag:s12] =	ssyncadd.s32 $0xFFFFC000  }
0xba: {  	[tilespmem:s16], [sflag:$0x2] =	stream.indirect.gather [hbm4b:s1+s14], $0x80, s19, s14, $0xb8;
	[tilespmem:$0x1F880] =	vst v63  }
0xbb: {  	_ =	swait.ge [sflag:s17], $0x4000  }
0xbc: {  	[sflag:s17] =	ssyncset.done $0x0  }
0xbd: {  	[sflag:s17] =	ssyncadd.s32 $0xFFFFC000  }
0xbe: {  	[spmem:s2] =	stream.indirect.scatter.add.f32 [tilespmem:s15], [sflag:$0x3], $0x80, s20, s14, $0xb8;
	[tilespmem:$0x1F880] =	vst v63  }
0xbf: {  	_ =	swait.ge [sflag:s12], $0x4000  }
0xc0: {  	[sflag:s12] =	ssyncset.done $0x0  }
0xc1: {  	[sflag:s12] =	ssyncadd.s32 $0xFFFFC000  }
0xc2: {  	_ =	swait.ge [sflag:s18], $0x4000  }
0xc3: {  	[sflag:s18] =	ssyncset.done $0x0  }
0xc4: {  	[sflag:s18] =	ssyncadd.s32 $0xFFFFC000  }
0xc5: {  	[spmem:s2] =	stream.indirect.scatter.add.f32 [tilespmem:s16], [sflag:$0x3], $0x80, s21, s14, $0xb8;
	[tilespmem:$0x1F880] =	vst v63  }
0xc6: {  	_ =	swait.ge [sflag:s12], $0x4000  }
0xc7: {  	[sflag:s12] =	ssyncset.done $0x0  }
0xc8: {  	s24 =	sshll.u32 @!p0 s3, $0x6;
	s23 =	sadd.s32 $0x1, s23;
	[sflag:s12] =	ssyncadd.s32 $0xFFFFC000  }
0xc9: {  	s24 =	sor.u32 @!p0 $0x1C03, s24;
	p1 =	sne.s32 s23, s10;
	[bflag:$0x0] =	sbarrier.arrive $0xFFFF  }
0xca: {  	[hbm:s9], [sflag:s24] =	dma.local @!p0 [spmem:s22], $0x3E80  }
.Ltmp4:
0xcb: {  	_ = 	snop;
	(pc) =	sbr.rel @p1 .LBB2_1-.Ltmp4, $4  }
0xcc: {  	s24 =	simm.s32 @!p0 $0x3  }
0xcd: {  	_ =	swait.ge @!p0 [sflag:s24], $0x3E80  }
0xce: {  	[sflag:s24] =	ssyncset.done @!p0 $0x0  }
0xcf: {  	[sflag:s24] =	ssyncadd.s32 @!p0 $0xFFFFC180  }
0xd0: {  	_ =	sfence.sel $0x180000  }
0xd1: {  	[bflag:$0x0] =	sbarrier.arrive $0xFFFF  }
0xd2: {  	p0 =	sne.s32 s3, $0x0;
	_ =	strace $0x90000047  }
0xd3: {  	s0 =	sadd.s32 @!p0 $0x100000, s0;
	[bflag:$0x2] =	sbarrier.arrive $0xFFFF  }
0xd4: {  	[sflag:s0] =	ssyncadd.tile.s32 @!p0 $0x1;
	_ =	shalt  }
.Lfunc_end2:
_tile_overlayer_lowered:
.L_overlay_start_2:
0xd5: {  	(tag) =	ssettag $0x2  }
0xd6: {  	s0 =	rddreg [dreg:$0x0];
	s2 =	stileid.u32  }
0xd7: {  	s1 =	rddreg [dreg:$0x1];
	p0 =	sne.s32 s2, $0x0  }
0xd8: {  	s3 =	rddreg [dreg:$0x2];
	[bflag:$0x3] =	sbarrier.arrive $0xFFFF;
	s2 =	simm.s32 @!p0 $0x1C03  }
0xd9: {  	[timem:s3], [sflag:s2] =	dma.local @!p0 [hbm:s0], s1  }
0xda: {  	s0 =	simm.s32 @!p0 $0x3  }
0xdb: {  	_ =	swait.ge @!p0 [sflag:s0], s1  }
0xdc: {  	s1 =	ssub.s32 @!p0 $0x0, s1;
	[sflag:s0] =	ssyncset.done @!p0 $0x0  }
0xdd: {  	[sflag:s0] =	ssyncadd.s32 @!p0 s1  }
0xde: {  	[bflag:$0x3] =	sbarrier.arrive $0xFFFF  }
0xdf: {  	_ =	shalt  }

// kernel: kernel.9.cloned.1.call-start
scs
__scs_entry_jumppad:
0x0: {  	(pc) =	sbr.rel $0x88, $3  }
0x1: {  	(tag) =	ssettag $0x0;
	lr =	simm.s32 $0x1  }
0x2: {  	[smem:$0x3F94] =	sst lr;
	_ =	strace $0xD0000000  }
0x3: {  	_ = 	snop  }
0x4: {  	_ = 	snop  }
0x5: {  	_ = 	snop  }
0x6: {  	_ = 	snop  }
0x7: {  	_ = 	snop  }
__scs_overlays_trampoline_lowered:
0x8: {  	[smem:$0x3FA3] =	sst s0  }
0x9: {  	[smem:$0x3FA4] =	sst s1  }
0xa: {  	[smem:$0x3FA5] =	sst s2  }
0xb: {  	[smem:$0x3FA6] =	sst s3  }
0xc: {  	[smem:$0x3FA7] =	sst s4  }
0xd: {  	[smem:$0x3FA8] =	sst s5  }
0xe: {  	[smem:$0x3FA9] =	sst s6  }
0xf: {  	[smem:$0x3FAA] =	sst s7  }
0x10: {  	[smem:$0x3FAB] =	sst s8  }
0x11: {  	[smem:$0x3FAC] =	sst s9;
	s0 =	simm.s32 @!p0 $0x0  }
0x12: {  	s1 =	sld [smem:$0x3F92];
	s0 =	simm.s32 @p0 $0x1  }
0x13: {  	[smem:$0x3FAD] =	sst s0;
	s0 =	simm.s32 @!p1 $0x0  }
0x14: {  	s2 =	sld [smem:$0x3F91];
	s0 =	simm.s32 @p1 $0x1  }
0x15: {  	[smem:$0x3FAE] =	sst s0;
	s0 =	simm.s32 @!p2 $0x0  }
0x16: {  	s3 =	sld [smem:$0x3FDB];
	s0 =	simm.s32 @p2 $0x1  }
0x17: {  	s4 =	simm.s32 $0x1BF5;
	[smem:$0x3FB0] =	sst s0  }
0x18: {  	s0 =	sld [smem:$0x3F93];
	_ =	swait.ge [sflag:s4], $0x0  }
0x19: {  	s7 =	sld [smem:$0x3F94]  }
0x1a: {  	s8 =	sadd.s32 $0xFFFFE003, lr  }
0x1b: {  	s9 =	sadd.s32 $0xFFFFFEF7, lr;
	s5 =	simm.s32 $0xFFFFFFFF;
	p2 =	slt.u32 s8, $0xFFFFF086  }
0x1c: {  	p1 =	slt.u32 s9, $0xF7A;
	s5 =	simm.s32 @!p2 $0x0  }
0x1d: {  	s5 =	simm.s32 @p1 $0x1;
	p0 =	seq.s32 s7, s2  }
0x1e: {  	s7 =	smul.u32 @!p0 $0xF7A, s2;
	p2 =	seq.s32 @!p0 s5, $0x0  }
0x1f: {  	s9 =	smul.u32 $0xF7A, s1;
	s8 =	simm.s32 @!p0 $0x1BF5;
	p2 =	por !p2, p0  }
0x20: {  	[sflag:s8] =	ssyncset.s32 @!p0 $0xFFFFF086;
	s6 =	sadd.s32 @!p0 s3, s7;
	s7 =	simm.s32 @!p0 $0x108  }
0x21: {  	s3 =	sadd.s32 s3, s9;
	s6 =	sadd.s32 @!p0 $0x88, s6;
	s7 =	simm.s32 @p2 $0x1082  }
0x22: {  	[simem:s7], [sflag:s8] =	dma.local @!p0 [hbm:s6], $0xF7A  }
0x23: {  	s9 =	sor.u32 $0xD0000000, s2;
	s6 =	simm.s32 $0x108;
	_ =	swait.ge @!p0 [sflag:s8], $0x0  }
0x24: {  	s3 =	sadd.s32 $0x88, s3;
	s6 =	simm.s32 @!p1 $0x1082;
	[sflag:s4] =	ssyncset.s32 $0xFFFFF086  }
0x25: {  	[simem:s6], [sflag:s4] =	dma.local [hbm:s3], $0xF7A  }
0x26: {  	[smem:$0x3F94] =	sst s1;
	(tag) =	ssettag s2;
	_ =	strace s9  }
0x27: {  	s1 =	sld [smem:$0x3FA4]  }
0x28: {  	s2 =	sld [smem:$0x3FA5]  }
0x29: {  	s4 =	sld [smem:$0x3FA7]  }
0x2a: {  	p0 =	seq.s32 s5, $0x0;
	s5 =	sld [smem:$0x3FA8]  }
0x2b: {  	s6 =	sld [smem:$0x3FA9]  }
0x2c: {  	s7 =	sld [smem:$0x3FAA]  }
0x2d: {  	s3 =	simm.s32 $0x108;
	s8 =	sld [smem:$0x3FAB]  }
0x2e: {  	s3 =	simm.s32 @!p0 $0x1082;
	s9 =	sld [smem:$0x3FAC]  }
0x2f: {  	lr =	sadd.s32 s0, s3;
	s0 =	sld [smem:$0x3FA3]  }
0x30: {  	s3 =	sld [smem:$0x3FA6]  }
0x31: {  	[smem:$0x3FAF] =	sst s10  }
0x32: {  	s10 =	sld [smem:$0x3FAD];
	_ =	sdelay $0x3  }
0x33: {  	p0 =	seq.s32 s10, $0x1;
	s10 =	sld [smem:$0x3FAF];
	_ =	sdelay $0x3  }
0x34: {  	[smem:$0x3FAF] =	sst s10  }
0x35: {  	s10 =	sld [smem:$0x3FAE];
	_ =	sdelay $0x3  }
0x36: {  	p1 =	seq.s32 s10, $0x1;
	s10 =	sld [smem:$0x3FAF];
	_ =	sdelay $0x3  }
0x37: {  	[smem:$0x3FAF] =	sst s10  }
0x38: {  	s10 =	sld [smem:$0x3FB0]  }
0x39: {  	_ = 	snop;
	(pc) =	sbr.ind lr, $3  }
0x3a: {  	_ = 	snop  }
0x3b: {  	_ = 	snop  }
0x3c: {  	p2 =	seq.s32 s10, $0x1;
	s10 =	sld [smem:$0x3FAF]  }
0x3d: {  	_ =	shalt  }
0x3e: {  	_ =	shalt  }
0x3f: {  	_ =	shalt  }
0x40: {  	_ =	shalt  }
0x41: {  	_ =	shalt  }
0x42: {  	_ =	shalt  }
0x43: {  	_ =	shalt  }
0x44: {  	_ =	shalt  }
0x45: {  	_ =	shalt  }
0x46: {  	_ =	shalt  }
0x47: {  	_ =	shalt  }
0x48: {  	_ =	shalt  }
0x49: {  	_ =	shalt  }
0x4a: {  	_ =	shalt  }
0x4b: {  	_ =	shalt  }
0x4c: {  	_ =	shalt  }
0x4d: {  	_ =	shalt  }
0x4e: {  	_ =	shalt  }
0x4f: {  	_ =	shalt  }
0x50: {  	_ =	shalt  }
0x51: {  	_ =	shalt  }
0x52: {  	_ =	shalt  }
0x53: {  	_ =	shalt  }
0x54: {  	_ =	shalt  }
0x55: {  	_ =	shalt  }
0x56: {  	_ =	shalt  }
0x57: {  	_ =	shalt  }
0x58: {  	_ =	shalt  }
0x59: {  	_ =	shalt  }
0x5a: {  	_ =	shalt  }
0x5b: {  	_ =	shalt  }
0x5c: {  	_ =	shalt  }
0x5d: {  	_ =	shalt  }
0x5e: {  	_ =	shalt  }
0x5f: {  	_ =	shalt  }
0x60: {  	_ =	shalt  }
0x61: {  	_ =	shalt  }
0x62: {  	_ =	shalt  }
0x63: {  	_ =	shalt  }
0x64: {  	_ =	shalt  }
0x65: {  	_ =	shalt  }
0x66: {  	_ =	shalt  }
0x67: {  	_ =	shalt  }
0x68: {  	_ =	shalt  }
0x69: {  	_ =	shalt  }
0x6a: {  	_ =	shalt  }
0x6b: {  	_ =	shalt  }
0x6c: {  	_ =	shalt  }
0x6d: {  	_ =	shalt  }
0x6e: {  	_ =	shalt  }
0x6f: {  	_ =	shalt  }
0x70: {  	_ =	shalt  }
0x71: {  	_ =	shalt  }
0x72: {  	_ =	shalt  }
0x73: {  	_ =	shalt  }
0x74: {  	_ =	shalt  }
0x75: {  	_ =	shalt  }
0x76: {  	_ =	shalt  }
0x77: {  	_ =	shalt  }
0x78: {  	_ =	shalt  }
0x79: {  	_ =	shalt  }
0x7a: {  	_ =	shalt  }
0x7b: {  	_ =	shalt  }
0x7c: {  	_ =	shalt  }
0x7d: {  	_ =	shalt  }
0x7e: {  	_ =	shalt  }
0x7f: {  	_ =	shalt  }
0x80: {  	_ =	shalt  }
0x81: {  	_ =	shalt  }
0x82: {  	_ =	shalt  }
0x83: {  	_ =	shalt  }
0x84: {  	_ =	shalt  }
0x85: {  	_ =	shalt  }
0x86: {  	_ =	shalt  }
0x87: {  	_ =	shalt  }
.Lfunc_end0:
.L_simem_size_0:
called_computation.1_lowered:
.L_overlay_start_0:
0x88: {  	s2 =	sld [smem:$0x3FD9]  }
0x89: {  	s3 =	sld [smem:$0x3FFE];
	_ =	sdelay $0x1  }
0x8a: {  	s1 =	srdreg.scid  }
0x8b: {  	s0 =	sand.u32 $0x1, s1  }
0x8c: {  	s16 =	sshll.u32 s0, $0xA;
	s2 =	sadd.s32 s3, s2  }
0x8d: {  	s2 =	sadd.s32 s2, s16  }
0x8e: {  	[smem:$0x3FBB] =	sst s2  }
0x8f: {  	_ = 	snop  }
0x90: {  	(tm) =	ssettm $0x1  }
0x91: {  	s17 =	sld [smem:$0x3FFB];
	_ =	sdelay $0x3  }
0x92: {  	_ =	strace s17  }
0x93: {  	s2 =	sld [smem:$0x3FFC];
	_ =	sdelay $0x3  }
0x94: {  	_ =	strace s2  }
0x95: {  	s2 =	sld [smem:$0x3FFD];
	_ =	sdelay $0x3  }
0x96: {  	_ =	strace s2  }
0x97: {  	_ =	strace $0x8FFFFFFF  }
0x98: {  	s18 =	sld [smem:$0x3FDB];
	_ =	sdelay $0x1  }
0x99: {  	s19 =	simm.s32 $_scs_section_size  }
0x9a: {  	s4 =	simm.s32 $_size__tile_overlayer_lowered;
	s5 =	simm.s32 $_tile_overlayer_lowered  }
0x9b: {  	s22 =	simm.s32 $0x1BFF;
	s21 =	sshll.u32 s5, $0x1;
	s2 =	sadd.s32 s19, s18  }
0x9c: {  	s6 =	simm.s32 $0x0;
	s20 =	sshll.u32 s4, $0x1;
	s4 =	sadd.s32 s21, s2  }
0x9d: {  	[timem:s6], [sflag:s22] =	dma.local [hbm:s4], s20  }
0x9e: {  	_ =	swait.ge [sflag:s22], s20  }
0x9f: {  	s3 =	ssub.s32 $0x0, s20;
	[sflag:s22] =	ssyncset.done $0x0  }
0xa0: {  	[sflag:s22] =	ssyncadd.s32 s3;
	_ =	sdelay $0x1  }
0xa1: {  	s23 =	simm.s32 $0x1B8B  }
0xa2: {  	_ =	swait.ge [sflag:s23], $0x1  }
0xa3: {  	[sflag:s23] =	ssyncset.done $0x0  }
0xa4: {  	s25 =	simm.s32 $0x1B8E;
	s24 =	sld [smem:$0x3FFE];
	[sflag:s23] =	ssyncadd.s32 $0xFFFFFFFF  }
0xa5: {  	s26 =	simm.s32 $execute0_lowered;
	[smem:$0x3FD2] =	sst s25  }
0xa6: {  	s4 =	sshll.u32 s26, $0x1;
	_ =	strace $0x80000049;
	[dreg:$0x1] =	wrdreg $0xFFFFFFFF  }
0xa7: {  	s28 =	simm.s32 $_size_execute0_lowered;
	s2 =	sadd.s32 s2, s4;
	[dreg:$0x0] =	wrdreg $0x0  }
0xa8: {  	s4 =	sshll.u32 s28, $0x1;
	[dreg:$0x2] =	wrdreg s2  }
0xa9: {  	[dreg:$0x3] =	wrdreg s4  }
0xaa: {  	[dreg:$0x4] =	wrdreg $0xC0  }
0xab: {  	_ =	task [dreg:s6], $0x5FFFF  }
0xac: {  	[dreg:$0x1] =	wrdreg $0xFFFFFFFF  }
0xad: {  	[dreg:$0x0] =	wrdreg $0x60  }
0xae: {  	[dreg:$0x2] =	wrdreg s24  }
0xaf: {  	[dreg:$0x3] =	wrdreg $0xBC000  }
0xb0: {  	[dreg:$0x4] =	wrdreg $0x9  }
0xb1: {  	_ =	task.clear_ibuf [dreg:s6], $0x5FFFF;
	_ =	strace $0x90000049  }
0xb2: {  	s29 =	simm.s32 $0x9;
	_ =	strace $0x8000004B  }
0xb3: {  	_ =	swait.ge [sflag:s29], $0x1  }
0xb4: {  	[sflag:s29] =	ssyncadd.s32 $0xFFFFFFFF  }
0xb5: {  	_ =	strace $0x9000004B  }
0xb6: {  	_ =	sfence  }
0xb7: {  	s30 =	sld [smem:$0x0];
	_ =	sdelay $0x2  }
0xb8: {  	s31 =	sshll.u32 s1, $0xD;
	s1 =	sshrl.u32 s1, $0x2  }
0xb9: {  	s3 =	sand.u32 $0x4000, s31;
	s1 =	sadd.s32 s1, s30  }
0xba: {  	s0 =	sor.u32 s3, s0;
	s1 =	sshll.u32 s1, $0x11  }
0xbb: {  	s0 =	sor.u32 s1, s0  }
0xbc: {  	s0 =	sadd.s32 $0x8F2B, s0  }
0xbd: {  	[sflag:s0] =	ssyncadd.remote.s32 $0x1  }
0xbe: {  	_ =	sfence.sel $0xFFFF  }
0xbf: {  	[dreg:$0x0] =	wrdreg $0xFFFFFFFF;
	(pc) =	sbr.abs _section_cstart, $3  }
0xc0: {  	[dreg:$0x1] =	wrdreg $0xFFFFFFFF  }
0xc1: {  	_ =	task.clear_ibuf [dreg:s6], $0x2FFFF;
	_ =	strace $0x9FFFFFFF  }
0xc2: {  	(tm) =	ssettm $0x7FFFFFFF  }
0xc3: {  	_ =	shalt  }
tec
execute0_lowered:
.L_overlay_start_1:
0x0: {  	(tag) =	ssettag $0x1  }
0x1: {  	s5 =	rddreg [dreg:$0x0]  }
0x2: {  	s1 =	rddreg [dreg:$0x1]  }
0x3: {  	s2 =	srdreg.scid;
	s0 =	rddreg [dreg:$0x2];
	s3 =	simm.s32 $0x0  }
0x4: {  	s15 =	simm.s32 $0x2800;
	s16 =	simm.s32 $0x6800;
	s17 =	simm.s32 $0x1  }
0x5: {  	s18 =	simm.s32 $0x2;
	s19 =	simm.s32 $0x1380;
	s20 =	simm.s32 $0x2700  }
0x6: {  	s21 =	simm.s32 $0x2780;
	s6 =	sand.u32 $0x1, s2;
	s2 =	stileid.u32  }
0x7: {  	s23 =	simm.s32 $0x0;
	[smem:$0x7FF] =	sst s3;
	s7 =	smul.u32 $0x138800, s6  }
0x8: {  	s4 =	sadd.s32 $0x16000, s5;
	s10 =	sadd.s32 $0x2000, s5;
	s8 =	smul.u32 $0x1F400, s2  }
0x9: {  	s26 =	sadd.s32 $0xC000, s5;
	s9 =	sshll.u32 s6, $0x4;
	s13 =	smul.u32 $0x7D000, s2  }
0xa: {  	_ =	strace $0x8000004A;
	s6 =	ssub.s32 $0x2, s6;
	s14 =	smul.u32 $0x5000, s2  }
0xb: {  	p0 =	sgt.u32 s2, $0x9;
	s9 =	sor.u32 s2, s9;
	s28 =	sshrl.u32 s6, $0x1  }
0xc: {  	s7 =	sadd.s32 s8, s7;
	s25 =	smul.u32 $0x2800, s9;
	s12 =	ssub.s32 s6, s28  }
0xd: {  	s30 =	sshrl.u32 s13, $0x2;
	s31 =	sshrl.u32 s14, $0x2;
	s13 =	simm.s32 $0x1400  }
0xe: {  	s14 =	simm.s32 $0x80;
	s7 =	sshrl.u32 s7, $0x3;
	s22 =	sadd.s32 s30, s1  }
0xf: {  	s11 =	sadd.s32 s7, s5;
	s29 =	sshrl.u32 s25, $0x3;
	s22 =	sshrl.u32 @!p0 s22, $0x3  }
0x10: {  	s5 =	sadd.s32 s10, s29;
	s6 =	sadd.s32 s26, s29;
	s8 =	sadd.s32 $0x280, s29  }
0x11: {  	s9 =	sadd.s32 $0x3D200, s11;
	s11 =	sadd.s32 s31, s1;
	s7 =	sadd.s32 s10, s8  }
0x12: {  	v0 =	vimm.f32 $0.0e+00;
	s8 =	sadd.s32 s26, s8;
	s10 =	smax.u32 s12, $0x1;
	s12 =	simm.s32 $0x3  }
.LBB2_1:
0x13: {  	[tilespmem:s3], [sflag:$0x3] =	stream.linear.gather [hbm4b:s5+s3], $0x1400, $0x38;
	[tilespmem:$0x1F880] =	vst v63  }
0x14: {  	_ =	swait.ge [sflag:s12], $0x1400  }
0x15: {  	[sflag:s12] =	ssyncset.done $0x0  }
0x16: {  	[sflag:s12] =	ssyncadd.s32 $0xFFFFEC00  }
0x17: {  	[tilespmem:s13], [sflag:$0x3] =	stream.linear.gather [hbm4b:s6+s3], $0x1400, $0x38;
	[tilespmem:$0x1F880] =	vst v63  }
0x18: {  	_ =	swait.ge [sflag:s12], $0x1400  }
0x19: {  	[sflag:s12] =	ssyncset.done $0x0  }
0x1a: {  	s24 =	simm.s32 $0x70;
	s25 =	simm.s32 $0x3C0;
	[sflag:s12] =	ssyncadd.s32 $0xFFFFEC00  }
0x1b: {  	[tilespmem:s15], [sflag:$0x1] =	stream.indirect.gather [hbm4b:s4+s14], $0x80, s3, s14, $0xb8;
	[tilespmem:$0x1F880] =	vst v63  }
.LBB2_2:
0x1c: {  	p1 =	sne.s32 s25, $0x4FC0;
	[tilespmem:s24+$0xA800] =	vst v0  }
0x1d: {  	[tilespmem:s24+$0xA790] =	vst v0  }
0x1e: {  	[tilespmem:s24+$0xA7A0] =	vst v0  }
.Ltmp0:
0x1f: {  	[tilespmem:s24+$0xA7B0] =	vst v0;
	(pc) =	sbr.rel @p1 .LBB2_2-.Ltmp0, $4  }
0x20: {  	[tilespmem:s24+$0xA7C0] =	vst v0  }
0x21: {  	[tilespmem:s24+$0xA7D0] =	vst v0  }
0x22: {  	[tilespmem:s24+$0xA7E0] =	vst v0  }
0x23: {  	[tilespmem:s24+$0xA7F0] =	vst v0;
	s24 =	sshra.s32 s25, $0x2;
	s25 =	sadd.s32 $0x200, s25  }
0x24: {  	[tilespmem:s24+$0xA800] =	vst v0  }
0x25: {  	[tilespmem:s24+$0xA790] =	vst v0  }
0x26: {  	[tilespmem:s24+$0xA7A0] =	vst v0  }
0x27: {  	[tilespmem:s24+$0xA7B0] =	vst v0  }
0x28: {  	[tilespmem:s24+$0xA7C0] =	vst v0  }
0x29: {  	[tilespmem:s24+$0xA7D0] =	vst v0;
	s25 =	sadd.s32 $0x0, s2  }
0x2a: {  	[tilespmem:s24+$0xA7E0] =	vst v0;
	p1 =	sgt.u32 s25, $0xF9  }
0x2b: {  	[tilespmem:s24+$0xA7F0] =	vst v0;
	s24 =	simm.s32 @!p1 $0xA800;
	s28 =	simm.s32 @!p1 $0x3  }
0x2c: {  	[spmem:s11] =	stream.linear.scatter @!p1 [tilespmem:s24], [sflag:$0x3], $0x1400, $0x38;
	[tilespmem:$0x1F880] =	vst v63  }
0x2d: {  	s26 =	simm.s32 $0x20;
	_ =	swait.ge @!p1 [sflag:s28], $0x1400  }
0x2e: {  	s25 =	simm.s32 $0x10;
	s24 =	sadd.s32 $0x14000, s11;
	[sflag:s28] =	ssyncset.done @!p1 $0x0  }
.LBB2_4:
0x2f: {  	s29 =	sadd.s32 s25, s2;
	s25 =	smov.u32 s26;
	s26 =	sadd.s32 $0x10, s26  }
0x30: {  	[sflag:s28] =	ssyncadd.s32 @!p1 $0xFFFFEC00;
	p2 =	sne.s32 s26, $0x100  }
.Ltmp1:
0x31: {  	p1 =	sgt.u32 s29, $0xF9;
	(pc) =	sbr.rel @p2 .LBB2_4-.Ltmp1, $4  }
0x32: {  	s29 =	simm.s32 @!p1 $0xA800;
	s28 =	simm.s32 @!p1 $0x3  }
0x33: {  	[spmem:s24] =	stream.linear.scatter @!p1 [tilespmem:s29], [sflag:$0x3], $0x1400, $0x38;
	[tilespmem:$0x1F880] =	vst v63  }
0x34: {  	_ =	swait.ge @!p1 [sflag:s28], $0x1400  }
0x35: {  	s24 =	sadd.s32 $0x14000, s24;
	[sflag:s28] =	ssyncset.done @!p1 $0x0  }
0x36: {  	s25 =	sadd.s32 s25, s2  }
0x37: {  	p2 =	sgt.u32 s25, $0xF9  }
0x38: {  	[sflag:s28] =	ssyncadd.s32 @!p1 $0xFFFFEC00;
	s25 =	simm.s32 @!p2 $0xA800;
	s26 =	simm.s32 @!p2 $0x3  }
0x39: {  	[spmem:s24] =	stream.linear.scatter @!p2 [tilespmem:s25], [sflag:$0x3], $0x1400, $0x38;
	[tilespmem:$0x1F880] =	vst v63  }
0x3a: {  	_ =	swait.ge @!p2 [sflag:s26], $0x1400  }
0x3b: {  	[sflag:s26] =	ssyncset.done @!p2 $0x0  }
0x3c: {  	[sflag:s26] =	ssyncadd.s32 @!p2 $0xFFFFEC00  }
0x3d: {  	s28 =	simm.s32 $0x80;
	[bflag:$0x0] =	sbarrier.arrive $0xFFFF  }
0x3e: {  	[tilespmem:s16], [sflag:$0x2] =	stream.indirect.gather [hbm4b:s4+s14], $0x80, s28, s14, $0xb8;
	[tilespmem:$0x1F880] =	vst v63  }
0x3f: {  	_ =	swait.ge [sflag:s17], $0x4000  }
0x40: {  	[sflag:s17] =	ssyncset.done $0x0  }
0x41: {  	s29 =	simm.s32 $0x1400;
	[sflag:s17] =	ssyncadd.s32 $0xFFFFC000  }
0x42: {  	[spmem:s1] =	stream.indirect.scatter.add.f32 [tilespmem:s15], [sflag:$0x3], $0x80, s29, s14, $0xb8;
	[tilespmem:$0x1F880] =	vst v63  }
0x43: {  	_ =	swait.ge [sflag:s12], $0x4000  }
0x44: {  	[sflag:s12] =	ssyncset.done $0x0  }
0x45: {  	s30 =	simm.s32 $0x100;
	[sflag:s12] =	ssyncadd.s32 $0xFFFFC000  }
0x46: {  	[tilespmem:s15], [sflag:$0x1] =	stream.indirect.gather [hbm4b:s4+s14], $0x80, s30, s14, $0xb8;
	[tilespmem:$0x1F880] =	vst v63  }
0x47: {  	_ =	swait.ge [sflag:s18], $0x4000  }
0x48: {  	[sflag:s18] =	ssyncset.done $0x0  }
0x49: {  	s31 =	simm.s32 $0x1480;
	[sflag:s18] =	ssyncadd.s32 $0xFFFFC000  }
0x4a: {  	[spmem:s1] =	stream.indirect.scatter.add.f32 [tilespmem:s16], [sflag:$0x3], $0x80, s31, s14, $0xb8;
	[tilespmem:$0x1F880] =	vst v63  }
0x4b: {  	_ =	swait.ge [sflag:s12], $0x4000  }
0x4c: {  	s25 =	simm.s32 $0x800;
	s24 =	simm.s32 $0x100;
	[sflag:s12] =	ssyncset.done $0x0  }
.LBB2_6:
0x4d: {  	s26 =	sadd.s32 $0x80, s24  }
0x4e: {  	[sflag:s12] =	ssyncadd.s32 $0xFFFFC000;
	s28 =	smov.u32 s25;
	s29 =	sadd.s32 $0x400, s25  }
0x4f: {  	[tilespmem:s16], [sflag:$0x2] =	stream.indirect.gather [hbm4b:s4+s14], $0x80, s26, s14, $0xb8;
	[tilespmem:$0x1F880] =	vst v63  }
0x50: {  	p1 =	sne.s32 s25, $0x4800;
	_ =	swait.ge [sflag:s17], $0x4000  }
0x51: {  	[sflag:s17] =	ssyncset.done $0x0  }
0x52: {  	s25 =	sadd.s32 $0x1400, s24;
	[sflag:s17] =	ssyncadd.s32 $0xFFFFC000  }
0x53: {  	[spmem:s1] =	stream.indirect.scatter.add.f32 [tilespmem:s15], [sflag:$0x3], $0x80, s25, s14, $0xb8;
	[tilespmem:$0x1F880] =	vst v63  }
0x54: {  	_ =	swait.ge [sflag:s12], $0x4000  }
0x55: {  	[sflag:s12] =	ssyncset.done $0x0  }
0x56: {  	s25 =	sadd.s32 $0x100, s24;
	[sflag:s12] =	ssyncadd.s32 $0xFFFFC000  }
0x57: {  	[tilespmem:s15], [sflag:$0x1] =	stream.indirect.gather [hbm4b:s4+s14], $0x80, s25, s14, $0xb8;
	[tilespmem:$0x1F880] =	vst v63  }
0x58: {  	_ =	swait.ge [sflag:s18], $0x4000  }
.Ltmp2:
0x59: {  	[sflag:s18] =	ssyncset.done $0x0;
	(pc) =	sbr.rel @p1 .LBB2_6-.Ltmp2, $4  }
0x5a: {  	s24 =	sadd.s32 $0x1480, s24;
	[sflag:s18] =	ssyncadd.s32 $0xFFFFC000  }
0x5b: {  	[spmem:s1] =	stream.indirect.scatter.add.f32 [tilespmem:s16], [sflag:$0x3], $0x80, s24, s14, $0xb8;
	[tilespmem:$0x1F880] =	vst v63  }
0x5c: {  	_ =	swait.ge [sflag:s12], $0x4000  }
0x5d: {  	s25 =	smov.u32 s29;
	s24 =	sshra.s32 s28, $0x2;
	[sflag:s12] =	ssyncset.done $0x0  }
0x5e: {  	s25 =	sadd.s32 $0x80, s24;
	[sflag:s12] =	ssyncadd.s32 $0xFFFFC000  }
0x5f: {  	[tilespmem:s16], [sflag:$0x2] =	stream.indirect.gather [hbm4b:s4+s14], $0x80, s25, s14, $0xb8;
	[tilespmem:$0x1F880] =	vst v63  }
0x60: {  	_ =	swait.ge [sflag:s17], $0x4000  }
0x61: {  	[sflag:s17] =	ssyncset.done $0x0  }
0x62: {  	s30 =	sadd.s32 $0x1400, s24;
	[sflag:s17] =	ssyncadd.s32 $0xFFFFC000  }
0x63: {  	[spmem:s1] =	stream.indirect.scatter.add.f32 [tilespmem:s15], [sflag:$0x3], $0x80, s30, s14, $0xb8;
	[tilespmem:$0x1F880] =	vst v63  }
0x64: {  	_ =	swait.ge [sflag:s12], $0x4000  }
0x65: {  	[sflag:s12] =	ssyncset.done $0x0  }
0x66: {  	s31 =	sadd.s32 $0x100, s24;
	[sflag:s12] =	ssyncadd.s32 $0xFFFFC000  }
0x67: {  	[tilespmem:s15], [sflag:$0x1] =	stream.indirect.gather [hbm4b:s4+s14], $0x80, s31, s14, $0xb8;
	[tilespmem:$0x1F880] =	vst v63  }
0x68: {  	_ =	swait.ge [sflag:s18], $0x4000  }
0x69: {  	[sflag:s18] =	ssyncset.done $0x0  }
0x6a: {  	s25 =	sadd.s32 $0x1480, s24;
	[sflag:s18] =	ssyncadd.s32 $0xFFFFC000  }
0x6b: {  	[spmem:s1] =	stream.indirect.scatter.add.f32 [tilespmem:s16], [sflag:$0x3], $0x80, s25, s14, $0xb8;
	[tilespmem:$0x1F880] =	vst v63  }
0x6c: {  	_ =	swait.ge [sflag:s12], $0x4000  }
0x6d: {  	[sflag:s12] =	ssyncset.done $0x0  }
0x6e: {  	[sflag:s12] =	ssyncadd.s32 $0xFFFFC000  }
0x6f: {  	[tilespmem:s16], [sflag:$0x2] =	stream.indirect.gather [hbm4b:s4+s14], $0x80, s19, s14, $0xb8;
	[tilespmem:$0x1F880] =	vst v63  }
0x70: {  	_ =	swait.ge [sflag:s17], $0x4000  }
0x71: {  	[sflag:s17] =	ssyncset.done $0x0  }
0x72: {  	[sflag:s17] =	ssyncadd.s32 $0xFFFFC000  }
0x73: {  	[spmem:s1] =	stream.indirect.scatter.add.f32 [tilespmem:s15], [sflag:$0x3], $0x80, s20, s14, $0xb8;
	[tilespmem:$0x1F880] =	vst v63  }
0x74: {  	_ =	swait.ge [sflag:s12], $0x4000  }
0x75: {  	[sflag:s12] =	ssyncset.done $0x0  }
0x76: {  	[sflag:s12] =	ssyncadd.s32 $0xFFFFC000  }
0x77: {  	_ =	swait.ge [sflag:s18], $0x4000  }
0x78: {  	[sflag:s18] =	ssyncset.done $0x0  }
0x79: {  	[sflag:s18] =	ssyncadd.s32 $0xFFFFC000  }
0x7a: {  	[spmem:s1] =	stream.indirect.scatter.add.f32 [tilespmem:s16], [sflag:$0x3], $0x80, s21, s14, $0xb8;
	[tilespmem:$0x1F880] =	vst v63  }
0x7b: {  	_ =	swait.ge [sflag:s12], $0x4000  }
0x7c: {  	[sflag:s12] =	ssyncset.done $0x0  }
0x7d: {  	s26 =	simm.s32 $0x0;
	[sflag:s12] =	ssyncadd.s32 $0xFFFFC000  }
0x7e: {  	[tilespmem:s26], [sflag:$0x3] =	stream.linear.gather [hbm4b:s7+s26], $0x1400, $0x38;
	[tilespmem:$0x1F880] =	vst v63  }
0x7f: {  	_ =	swait.ge [sflag:s12], $0x1400  }
0x80: {  	[sflag:s12] =	ssyncset.done $0x0  }
0x81: {  	[sflag:s12] =	ssyncadd.s32 $0xFFFFEC00  }
0x82: {  	[tilespmem:s13], [sflag:$0x3] =	stream.linear.gather [hbm4b:s8+s26], $0x1400, $0x38;
	[tilespmem:$0x1F880] =	vst v63  }
0x83: {  	_ =	swait.ge [sflag:s12], $0x1400  }
0x84: {  	[sflag:s12] =	ssyncset.done $0x0  }
0x85: {  	[sflag:s12] =	ssyncadd.s32 $0xFFFFEC00  }
0x86: {  	[tilespmem:s15], [sflag:$0x1] =	stream.indirect.gather [hbm4b:s4+s14], $0x80, s26, s14, $0xb8;
	[tilespmem:$0x1F880] =	vst v63  }
0x87: {  	s28 =	simm.s32 $0x80  }
0x88: {  	[tilespmem:s16], [sflag:$0x2] =	stream.indirect.gather [hbm4b:s4+s14], $0x80, s28, s14, $0xb8;
	[tilespmem:$0x1F880] =	vst v63  }
0x89: {  	_ =	swait.ge [sflag:s17], $0x4000  }
0x8a: {  	[sflag:s17] =	ssyncset.done $0x0  }
0x8b: {  	s29 =	simm.s32 $0x1400;
	[sflag:s17] =	ssyncadd.s32 $0xFFFFC000  }
0x8c: {  	[spmem:s1] =	stream.indirect.scatter.add.f32 [tilespmem:s15], [sflag:$0x3], $0x80, s29, s14, $0xb8;
	[tilespmem:$0x1F880] =	vst v63  }
0x8d: {  	_ =	swait.ge [sflag:s12], $0x4000  }
0x8e: {  	[sflag:s12] =	ssyncset.done $0x0  }
0x8f: {  	s30 =	simm.s32 $0x100;
	[sflag:s12] =	ssyncadd.s32 $0xFFFFC000  }
0x90: {  	[tilespmem:s15], [sflag:$0x1] =	stream.indirect.gather [hbm4b:s4+s14], $0x80, s30, s14, $0xb8;
	[tilespmem:$0x1F880] =	vst v63  }
0x91: {  	_ =	swait.ge [sflag:s18], $0x4000  }
0x92: {  	[sflag:s18] =	ssyncset.done $0x0  }
0x93: {  	s31 =	simm.s32 $0x1480;
	[sflag:s18] =	ssyncadd.s32 $0xFFFFC000  }
0x94: {  	[spmem:s1] =	stream.indirect.scatter.add.f32 [tilespmem:s16], [sflag:$0x3], $0x80, s31, s14, $0xb8;
	[tilespmem:$0x1F880] =	vst v63  }
0x95: {  	_ =	swait.ge [sflag:s12], $0x4000  }
0x96: {  	s24 =	simm.s32 $0x100;
	s25 =	simm.s32 $0x800;
	[sflag:s12] =	ssyncset.done $0x0  }
.LBB2_8:
0x97: {  	s26 =	sadd.s32 $0x80, s24  }
0x98: {  	[sflag:s12] =	ssyncadd.s32 $0xFFFFC000;
	s28 =	smov.u32 s25;
	s29 =	sadd.s32 $0x400, s25  }
0x99: {  	[tilespmem:s16], [sflag:$0x2] =	stream.indirect.gather [hbm4b:s4+s14], $0x80, s26, s14, $0xb8;
	[tilespmem:$0x1F880] =	vst v63  }
0x9a: {  	p1 =	sne.s32 s25, $0x4800;
	_ =	swait.ge [sflag:s17], $0x4000  }
0x9b: {  	[sflag:s17] =	ssyncset.done $0x0  }
0x9c: {  	s25 =	sadd.s32 $0x1400, s24;
	[sflag:s17] =	ssyncadd.s32 $0xFFFFC000  }
0x9d: {  	[spmem:s1] =	stream.indirect.scatter.add.f32 [tilespmem:s15], [sflag:$0x3], $0x80, s25, s14, $0xb8;
	[tilespmem:$0x1F880] =	vst v63  }
0x9e: {  	_ =	swait.ge [sflag:s12], $0x4000  }
0x9f: {  	[sflag:s12] =	ssyncset.done $0x0  }
0xa0: {  	s25 =	sadd.s32 $0x100, s24;
	[sflag:s12] =	ssyncadd.s32 $0xFFFFC000  }
0xa1: {  	[tilespmem:s15], [sflag:$0x1] =	stream.indirect.gather [hbm4b:s4+s14], $0x80, s25, s14, $0xb8;
	[tilespmem:$0x1F880] =	vst v63  }
0xa2: {  	_ =	swait.ge [sflag:s18], $0x4000  }
.Ltmp3:
0xa3: {  	[sflag:s18] =	ssyncset.done $0x0;
	(pc) =	sbr.rel @p1 .LBB2_8-.Ltmp3, $4  }
0xa4: {  	s24 =	sadd.s32 $0x1480, s24;
	[sflag:s18] =	ssyncadd.s32 $0xFFFFC000  }
0xa5: {  	[spmem:s1] =	stream.indirect.scatter.add.f32 [tilespmem:s16], [sflag:$0x3], $0x80, s24, s14, $0xb8;
	[tilespmem:$0x1F880] =	vst v63  }
0xa6: {  	_ =	swait.ge [sflag:s12], $0x4000  }
0xa7: {  	s25 =	smov.u32 s29;
	s24 =	sshra.s32 s28, $0x2;
	[sflag:s12] =	ssyncset.done $0x0  }
0xa8: {  	s25 =	sadd.s32 $0x80, s24;
	[sflag:s12] =	ssyncadd.s32 $0xFFFFC000  }
0xa9: {  	[tilespmem:s16], [sflag:$0x2] =	stream.indirect.gather [hbm4b:s4+s14], $0x80, s25, s14, $0xb8;
	[tilespmem:$0x1F880] =	vst v63  }
0xaa: {  	_ =	swait.ge [sflag:s17], $0x4000  }
0xab: {  	[sflag:s17] =	ssyncset.done $0x0  }
0xac: {  	s29 =	sadd.s32 $0x1400, s24;
	[sflag:s17] =	ssyncadd.s32 $0xFFFFC000  }
0xad: {  	[spmem:s1] =	stream.indirect.scatter.add.f32 [tilespmem:s15], [sflag:$0x3], $0x80, s29, s14, $0xb8;
	[tilespmem:$0x1F880] =	vst v63  }
0xae: {  	_ =	swait.ge [sflag:s12], $0x4000  }
0xaf: {  	[sflag:s12] =	ssyncset.done $0x0  }
0xb0: {  	s30 =	sadd.s32 $0x100, s24;
	[sflag:s12] =	ssyncadd.s32 $0xFFFFC000  }
0xb1: {  	[tilespmem:s15], [sflag:$0x1] =	stream.indirect.gather [hbm4b:s4+s14], $0x80, s30, s14, $0xb8;
	[tilespmem:$0x1F880] =	vst v63  }
0xb2: {  	_ =	swait.ge [sflag:s18], $0x4000  }
0xb3: {  	[sflag:s18] =	ssyncset.done $0x0  }
0xb4: {  	s31 =	sadd.s32 $0x1480, s24;
	[sflag:s18] =	ssyncadd.s32 $0xFFFFC000  }
0xb5: {  	[spmem:s1] =	stream.indirect.scatter.add.f32 [tilespmem:s16], [sflag:$0x3], $0x80, s31, s14, $0xb8;
	[tilespmem:$0x1F880] =	vst v63  }
0xb6: {  	_ =	swait.ge [sflag:s12], $0x4000  }
0xb7: {  	[sflag:s12] =	ssyncset.done $0x0  }
0xb8: {  	[sflag:s12] =	ssyncadd.s32 $0xFFFFC000  }
0xb9: {  	[tilespmem:s16], [sflag:$0x2] =	stream.indirect.gather [hbm4b:s4+s14], $0x80, s19, s14, $0xb8;
	[tilespmem:$0x1F880] =	vst v63  }
0xba: {  	_ =	swait.ge [sflag:s17], $0x4000  }
0xbb: {  	[sflag:s17] =	ssyncset.done $0x0  }
0xbc: {  	[sflag:s17] =	ssyncadd.s32 $0xFFFFC000  }
0xbd: {  	[spmem:s1] =	stream.indirect.scatter.add.f32 [tilespmem:s15], [sflag:$0x3], $0x80, s20, s14, $0xb8;
	[tilespmem:$0x1F880] =	vst v63  }
0xbe: {  	_ =	swait.ge [sflag:s12], $0x4000  }
0xbf: {  	[sflag:s12] =	ssyncset.done $0x0  }
0xc0: {  	[sflag:s12] =	ssyncadd.s32 $0xFFFFC000  }
0xc1: {  	_ =	swait.ge [sflag:s18], $0x4000  }
0xc2: {  	[sflag:s18] =	ssyncset.done $0x0  }
0xc3: {  	[sflag:s18] =	ssyncadd.s32 $0xFFFFC000  }
0xc4: {  	[spmem:s1] =	stream.indirect.scatter.add.f32 [tilespmem:s16], [sflag:$0x3], $0x80, s21, s14, $0xb8;
	[tilespmem:$0x1F880] =	vst v63  }
0xc5: {  	_ =	swait.ge [sflag:s12], $0x4000  }
0xc6: {  	[sflag:s12] =	ssyncset.done $0x0  }
0xc7: {  	s24 =	sshll.u32 @!p0 s2, $0x6;
	s23 =	sadd.s32 $0x1, s23;
	[sflag:s12] =	ssyncadd.s32 $0xFFFFC000  }
0xc8: {  	s24 =	sor.u32 @!p0 $0x1C03, s24;
	p1 =	sne.s32 s23, s10;
	[bflag:$0x0] =	sbarrier.arrive $0xFFFF  }
0xc9: {  	[hbm:s9], [sflag:s24] =	dma.local @!p0 [spmem:s22], $0x3E80  }
.Ltmp4:
0xca: {  	_ = 	snop;
	(pc) =	sbr.rel @p1 .LBB2_1-.Ltmp4, $4  }
0xcb: {  	s24 =	simm.s32 @!p0 $0x3  }
0xcc: {  	_ =	swait.ge @!p0 [sflag:s24], $0x3E80  }
0xcd: {  	[sflag:s24] =	ssyncset.done @!p0 $0x0  }
0xce: {  	[sflag:s24] =	ssyncadd.s32 @!p0 $0xFFFFC180  }
0xcf: {  	_ =	sfence.sel $0x180000  }
0xd0: {  	[bflag:$0x0] =	sbarrier.arrive $0xFFFF  }
0xd1: {  	p0 =	sne.s32 s2, $0x0;
	_ =	strace $0x9000004A  }
0xd2: {  	s0 =	sadd.s32 @!p0 $0x100000, s0;
	[bflag:$0x2] =	sbarrier.arrive $0xFFFF  }
0xd3: {  	[sflag:s0] =	ssyncadd.tile.s32 @!p0 $0x1;
	_ =	shalt  }
.Lfunc_end2:
_tile_overlayer_lowered:
.L_overlay_start_2:
0xd4: {  	(tag) =	ssettag $0x2  }
0xd5: {  	s0 =	rddreg [dreg:$0x0];
	s2 =	stileid.u32  }
0xd6: {  	s1 =	rddreg [dreg:$0x1];
	p0 =	sne.s32 s2, $0x0  }
0xd7: {  	s3 =	rddreg [dreg:$0x2];
	[bflag:$0x3] =	sbarrier.arrive $0xFFFF;
	s2 =	simm.s32 @!p0 $0x1C03  }
0xd8: {  	[timem:s3], [sflag:s2] =	dma.local @!p0 [hbm:s0], s1  }
0xd9: {  	s0 =	simm.s32 @!p0 $0x3  }
0xda: {  	_ =	swait.ge @!p0 [sflag:s0], s1  }
0xdb: {  	s1 =	ssub.s32 @!p0 $0x0, s1;
	[sflag:s0] =	ssyncset.done @!p0 $0x0  }
0xdc: {  	[sflag:s0] =	ssyncadd.s32 @!p0 s1  }
0xdd: {  	[bflag:$0x3] =	sbarrier.arrive $0xFFFF  }
0xde: {  	_ =	shalt  }

</sc_bundles>
